<compile_context>
chip_gen: v7x
topology: tpu7x:2x2x1
jax: 0.10.2.dev20260603
libtpu: 0.0.44.dev20260713+nightly
codegen_flags: <defaults>
</compile_context>

<pallas_src>
import functools

import jax
import jax.numpy as jnp
from jax import lax
from jax.experimental import pallas as pl
from jax.experimental.pallas import tpu as pltpu
from jax.experimental.pallas import tpu_sc as plsc

_INFO = plsc.get_sparse_core_info()
_NC = _INFO.num_cores
_NS = _INFO.num_subcores
_NW = _NC * _NS

_D = 64
_B = 4096 * 50
_CHUNK = 128
_ROWS_PER_W = _B // _NW
_NCHUNK = _ROWS_PER_W // _CHUNK
_NBUF = 10
_DEPTH = 8
_NROUND = _NCHUNK // _NBUF


def _make_gather():
    mesh = plsc.VectorSubcoreMesh(core_axis_name="c", subcore_axis_name="s")

    @functools.partial(
        pl.kernel,
        mesh=mesh,
        out_type=jax.ShapeDtypeStruct((_B, _D), jnp.float32),
        scratch_types=(
            [pltpu.VMEM((_NCHUNK, _CHUNK), jnp.int32)]
            + [pltpu.VMEM((_CHUNK, _D), jnp.float32)] * _NBUF
            + [pltpu.SemaphoreType.DMA] * (2 * _NBUF)
        ),
        compiler_params=pltpu.CompilerParams(use_tc_tiling_on_sc=False),
    )
    def gather_kernel(idx_hbm, table_hbm, out_hbm, idx_v, *bufs_and_sems):
        rows = bufs_and_sems[:_NBUF]
        sem_g = bufs_and_sems[_NBUF:2 * _NBUF]
        sem_o = bufs_and_sems[2 * _NBUF:]

        wid = lax.axis_index("s") * _NC + lax.axis_index("c")
        base = wid * _ROWS_PER_W
        pltpu.sync_copy(idx_hbm.at[wid], idx_v)

        def gather_start(chunk, b):
            pltpu.async_copy(table_hbm.at[idx_v.at[chunk]], rows[b], sem_g[b])

        def gather_wait(chunk, b):
            pltpu.make_async_copy(
                table_hbm.at[idx_v.at[chunk]], rows[b], sem_g[b]
            ).wait()

        def out_slice(chunk):
            return out_hbm.at[pl.ds(base + chunk * _CHUNK, _CHUNK)]

        for c in range(_DEPTH):
            gather_start(c, c)

        def round_body(t, carry):
            for j in range(_NBUF):
                chunk = t * _NBUF + j
                gather_wait(chunk, j)
                pltpu.async_copy(rows[j], out_slice(chunk), sem_o[j])
                nxt = chunk + _DEPTH
                bn = (j + _DEPTH) % _NBUF

                @pl.when(jnp.logical_and(nxt < _NCHUNK, nxt >= _NBUF))
                def _():
                    pltpu.make_async_copy(
                        rows[bn], out_slice(nxt - _NBUF), sem_o[bn]
                    ).wait()

                @pl.when(nxt < _NCHUNK)
                def _():
                    gather_start(nxt, bn)

            return carry

        lax.fori_loop(0, _NROUND, round_body, 0)

        last = _NCHUNK - _NBUF
        for j in range(_NBUF):
            pltpu.make_async_copy(rows[j], out_slice(last + j), sem_o[j]).wait()

    return gather_kernel


_gather = _make_gather()


def _impl(x, table):
    batch, hist = x.shape
    idx = x.reshape(_NW, _NCHUNK, _CHUNK)
    out = _gather(idx, table)
    return out.reshape(batch, hist, _D)


_kernel_jit = jax.jit(_impl)


def kernel(x, table):
    return _kernel_jit(x, table)

# --- scband reference (transcript-rebuilt; emitter-appended) ---
"""Pipeline reference for scband-text-embedding-17377437680525 (READ-ONLY COPY).

The authoritative reference and input builder live on the scoring server;
editing this copy changes nothing except your own understanding.
"""

import jax, jax.numpy as jnp
import numpy as np

VOCAB = 100000
EMBED_DIM = 64
BATCH = 4096
HIST = 50


def setup_inputs(seed: int = 0) -> dict:
    key = jax.random.key(seed)
    k_idx, k_tab = jax.random.split(key)
    x = jax.random.randint(k_idx, (BATCH, HIST), 0, VOCAB, dtype=jnp.int32)
    table = jax.random.normal(k_tab, (VOCAB, EMBED_DIM), dtype=jnp.float32)
    return {"x": x, "table": table}


def reference(x, table):
    # TextEmbedding.forward with dropout p == 0.0: pure embedding lookup.
    return jnp.take(table, x, axis=0)

if __name__ == "__main__":
    import jax
    _d = setup_inputs()
    print(jax.jit(kernel)(*tuple(_d.values())))

</pallas_src>

<mosaic_0001>
#map = affine_map<(d0, d1) -> (0, 0, 0)>
#map1 = affine_map<(d0, d1) -> (0, 0)>
module attributes {stable_mosaic.version = 14 : i64} {
  func.func @gather_kernel(%arg0: i32, %arg1: i32, %arg2: memref<32x50x128xi32, #tpu.memory_space<hbm>>, %arg3: memref<100000x64xf32, #tpu.memory_space<hbm>>, %arg4: memref<204800x64xf32, #tpu.memory_space<hbm>>, %arg5: memref<50x128xi32, #tpu.memory_space<vmem>>, %arg6: memref<128x64xf32, #tpu.memory_space<vmem>>, %arg7: memref<128x64xf32, #tpu.memory_space<vmem>>, %arg8: memref<128x64xf32, #tpu.memory_space<vmem>>, %arg9: memref<128x64xf32, #tpu.memory_space<vmem>>, %arg10: memref<128x64xf32, #tpu.memory_space<vmem>>, %arg11: memref<128x64xf32, #tpu.memory_space<vmem>>, %arg12: memref<128x64xf32, #tpu.memory_space<vmem>>, %arg13: memref<128x64xf32, #tpu.memory_space<vmem>>, %arg14: memref<128x64xf32, #tpu.memory_space<vmem>>, %arg15: memref<128x64xf32, #tpu.memory_space<vmem>>, %arg16: memref<!tpu.dma_semaphore, #tpu.memory_space<semaphore_mem>>, %arg17: memref<!tpu.dma_semaphore, #tpu.memory_space<semaphore_mem>>, %arg18: memref<!tpu.dma_semaphore, #tpu.memory_space<semaphore_mem>>, %arg19: memref<!tpu.dma_semaphore, #tpu.memory_space<semaphore_mem>>, %arg20: memref<!tpu.dma_semaphore, #tpu.memory_space<semaphore_mem>>, %arg21: memref<!tpu.dma_semaphore, #tpu.memory_space<semaphore_mem>>, %arg22: memref<!tpu.dma_semaphore, #tpu.memory_space<semaphore_mem>>, %arg23: memref<!tpu.dma_semaphore, #tpu.memory_space<semaphore_mem>>, %arg24: memref<!tpu.dma_semaphore, #tpu.memory_space<semaphore_mem>>, %arg25: memref<!tpu.dma_semaphore, #tpu.memory_space<semaphore_mem>>, %arg26: memref<!tpu.dma_semaphore, #tpu.memory_space<semaphore_mem>>, %arg27: memref<!tpu.dma_semaphore, #tpu.memory_space<semaphore_mem>>, %arg28: memref<!tpu.dma_semaphore, #tpu.memory_space<semaphore_mem>>, %arg29: memref<!tpu.dma_semaphore, #tpu.memory_space<semaphore_mem>>, %arg30: memref<!tpu.dma_semaphore, #tpu.memory_space<semaphore_mem>>, %arg31: memref<!tpu.dma_semaphore, #tpu.memory_space<semaphore_mem>>, %arg32: memref<!tpu.dma_semaphore, #tpu.memory_space<semaphore_mem>>, %arg33: memref<!tpu.dma_semaphore, #tpu.memory_space<semaphore_mem>>, %arg34: memref<!tpu.dma_semaphore, #tpu.memory_space<semaphore_mem>>, %arg35: memref<!tpu.dma_semaphore, #tpu.memory_space<semaphore_mem>>) attributes {dimension_semantics = [#tpu.dimension_semantics<core_parallel>, #tpu.dimension_semantics<subcore_parallel>], iteration_bounds = array<i64: 2, 16>, scalar_prefetch = 0 : i64, scratch_operands = 31 : i64, tpu.core_type = #tpu.core_type<sc_vector_subcore>, window_params = [{transform_indices = #map}, {transform_indices = #map1}, {transform_indices = #map1}]} {
    %mul3A = arith.constant 2 : i32
    %mul3A_0 = arith.muli %arg1, %mul3A : i32
    %add3A = arith.addi %mul3A_0, %arg0 : i32
    %mul3A_1 = arith.constant 6400 : i32
    %mul3A_2 = arith.muli %add3A, %mul3A_1 : i32
    "tpu.region"() ({
      %run_scoped3A = tpu.sem_alloc : memref<!tpu.dma_semaphore, #tpu.memory_space<semaphore_mem>>
      %dma_start3A_122 = arith.constant 0 : i32
      %dma_start3A_123 = arith.constant 0 : i32
      %dma_start3A_124 = tpu.memref_slice %arg2[%add3A, %dma_start3A_122, %dma_start3A_123] : memref<32x50x128xi32, #tpu.memory_space<hbm>> -> memref<1x50x128xi32, #tpu.memory_space<hbm>>
      %dma_start3A_125 = tpu.memref_squeeze %dma_start3A_124 : memref<1x50x128xi32, #tpu.memory_space<hbm>> -> memref<50x128xi32, #tpu.memory_space<hbm>>
      %dma_start3A_126 = arith.constant 0 : i32
      %dma_start3A_127 = arith.constant 0 : i32
      %dma_start3A_128 = tpu.memref_slice %arg2[%add3A, %dma_start3A_126, %dma_start3A_127] : memref<32x50x128xi32, #tpu.memory_space<hbm>> -> memref<1x50x128xi32, #tpu.memory_space<hbm>>
      %dma_start3A_129 = tpu.memref_squeeze %dma_start3A_128 : memref<1x50x128xi32, #tpu.memory_space<hbm>> -> memref<50x128xi32, #tpu.memory_space<hbm>>
      tpu.enqueue_dma source(%dma_start3A_129 : memref<50x128xi32, #tpu.memory_space<hbm>>) target(%arg5 : memref<50x128xi32, #tpu.memory_space<vmem>>) target_semaphore(%run_scoped3A : memref<!tpu.dma_semaphore, #tpu.memory_space<semaphore_mem>>)
      %dma_wait3A_130 = arith.constant 0 : i32
      %dma_wait3A_131 = arith.constant 0 : i32
      %dma_wait3A_132 = tpu.memref_slice %arg2[%add3A, %dma_wait3A_130, %dma_wait3A_131] : memref<32x50x128xi32, #tpu.memory_space<hbm>> -> memref<1x50x128xi32, #tpu.memory_space<hbm>>
      %dma_wait3A_133 = tpu.memref_squeeze %dma_wait3A_132 : memref<1x50x128xi32, #tpu.memory_space<hbm>> -> memref<50x128xi32, #tpu.memory_space<hbm>>
      %dma_wait3A_134 = arith.constant 0 : i32
      %dma_wait3A_135 = arith.constant 0 : i32
      %dma_wait3A_136 = tpu.memref_slice %arg2[%add3A, %dma_wait3A_134, %dma_wait3A_135] : memref<32x50x128xi32, #tpu.memory_space<hbm>> -> memref<1x50x128xi32, #tpu.memory_space<hbm>>
      %dma_wait3A_137 = tpu.memref_squeeze %dma_wait3A_136 : memref<1x50x128xi32, #tpu.memory_space<hbm>> -> memref<50x128xi32, #tpu.memory_space<hbm>>
      tpu.wait_dma2 semaphore(%run_scoped3A : memref<!tpu.dma_semaphore, #tpu.memory_space<semaphore_mem>>) src(%dma_wait3A_137 : memref<50x128xi32, #tpu.memory_space<hbm>>) dst(%arg5 : memref<50x128xi32, #tpu.memory_space<vmem>>)
      tpu.yield
    }) : () -> ()
    %dma_start3A = arith.constant 0 : i32
    %dma_start3A_3 = arith.constant 0 : i32
    %dma_start3A_4 = tpu.memref_slice %arg5[%dma_start3A, %dma_start3A_3] : memref<50x128xi32, #tpu.memory_space<vmem>> -> memref<1x128xi32, #tpu.memory_space<vmem>>
    %dma_start3A_5 = tpu.memref_squeeze %dma_start3A_4 : memref<1x128xi32, #tpu.memory_space<vmem>> -> memref<128xi32, #tpu.memory_space<vmem>>
    %dma_start3A_6 = arith.constant 0 : i32
    %dma_start3A_7 = arith.constant 0 : i32
    %dma_start3A_8 = tpu.memref_slice %arg3[%dma_start3A_6, %dma_start3A_7] : memref<100000x64xf32, #tpu.memory_space<hbm>> -> memref<100000x64xf32, #tpu.memory_space<hbm>>
    tpu.enqueue_indirect_dma source(%dma_start3A_8 : memref<100000x64xf32, #tpu.memory_space<hbm>>) target(%arg6 : memref<128x64xf32, #tpu.memory_space<vmem>>) offsets(%dma_start3A_5 : memref<128xi32, #tpu.memory_space<vmem>>) semaphore(%arg16 : memref<!tpu.dma_semaphore, #tpu.memory_space<semaphore_mem>>)
    %dma_start3A_9 = arith.constant 1 : i32
    %dma_start3A_10 = arith.constant 0 : i32
    %dma_start3A_11 = tpu.memref_slice %arg5[%dma_start3A_9, %dma_start3A_10] : memref<50x128xi32, #tpu.memory_space<vmem>> -> memref<1x128xi32, #tpu.memory_space<vmem>>
    %dma_start3A_12 = tpu.memref_squeeze %dma_start3A_11 : memref<1x128xi32, #tpu.memory_space<vmem>> -> memref<128xi32, #tpu.memory_space<vmem>>
    %dma_start3A_13 = arith.constant 0 : i32
    %dma_start3A_14 = arith.constant 0 : i32
    %dma_start3A_15 = tpu.memref_slice %arg3[%dma_start3A_13, %dma_start3A_14] : memref<100000x64xf32, #tpu.memory_space<hbm>> -> memref<100000x64xf32, #tpu.memory_space<hbm>>
    tpu.enqueue_indirect_dma source(%dma_start3A_15 : memref<100000x64xf32, #tpu.memory_space<hbm>>) target(%arg7 : memref<128x64xf32, #tpu.memory_space<vmem>>) offsets(%dma_start3A_12 : memref<128xi32, #tpu.memory_space<vmem>>) semaphore(%arg17 : memref<!tpu.dma_semaphore, #tpu.memory_space<semaphore_mem>>)
    %dma_start3A_16 = arith.constant 2 : i32
    %dma_start3A_17 = arith.constant 0 : i32
    %dma_start3A_18 = tpu.memref_slice %arg5[%dma_start3A_16, %dma_start3A_17] : memref<50x128xi32, #tpu.memory_space<vmem>> -> memref<1x128xi32, #tpu.memory_space<vmem>>
    %dma_start3A_19 = tpu.memref_squeeze %dma_start3A_18 : memref<1x128xi32, #tpu.memory_space<vmem>> -> memref<128xi32, #tpu.memory_space<vmem>>
    %dma_start3A_20 = arith.constant 0 : i32
    %dma_start3A_21 = arith.constant 0 : i32
    %dma_start3A_22 = tpu.memref_slice %arg3[%dma_start3A_20, %dma_start3A_21] : memref<100000x64xf32, #tpu.memory_space<hbm>> -> memref<100000x64xf32, #tpu.memory_space<hbm>>
    tpu.enqueue_indirect_dma source(%dma_start3A_22 : memref<100000x64xf32, #tpu.memory_space<hbm>>) target(%arg8 : memref<128x64xf32, #tpu.memory_space<vmem>>) offsets(%dma_start3A_19 : memref<128xi32, #tpu.memory_space<vmem>>) semaphore(%arg18 : memref<!tpu.dma_semaphore, #tpu.memory_space<semaphore_mem>>)
    %dma_start3A_23 = arith.constant 3 : i32
    %dma_start3A_24 = arith.constant 0 : i32
    %dma_start3A_25 = tpu.memref_slice %arg5[%dma_start3A_23, %dma_start3A_24] : memref<50x128xi32, #tpu.memory_space<vmem>> -> memref<1x128xi32, #tpu.memory_space<vmem>>
    %dma_start3A_26 = tpu.memref_squeeze %dma_start3A_25 : memref<1x128xi32, #tpu.memory_space<vmem>> -> memref<128xi32, #tpu.memory_space<vmem>>
    %dma_start3A_27 = arith.constant 0 : i32
    %dma_start3A_28 = arith.constant 0 : i32
    %dma_start3A_29 = tpu.memref_slice %arg3[%dma_start3A_27, %dma_start3A_28] : memref<100000x64xf32, #tpu.memory_space<hbm>> -> memref<100000x64xf32, #tpu.memory_space<hbm>>
    tpu.enqueue_indirect_dma source(%dma_start3A_29 : memref<100000x64xf32, #tpu.memory_space<hbm>>) target(%arg9 : memref<128x64xf32, #tpu.memory_space<vmem>>) offsets(%dma_start3A_26 : memref<128xi32, #tpu.memory_space<vmem>>) semaphore(%arg19 : memref<!tpu.dma_semaphore, #tpu.memory_space<semaphore_mem>>)
    %dma_start3A_30 = arith.constant 4 : i32
    %dma_start3A_31 = arith.constant 0 : i32
    %dma_start3A_32 = tpu.memref_slice %arg5[%dma_start3A_30, %dma_start3A_31] : memref<50x128xi32, #tpu.memory_space<vmem>> -> memref<1x128xi32, #tpu.memory_space<vmem>>
    %dma_start3A_33 = tpu.memref_squeeze %dma_start3A_32 : memref<1x128xi32, #tpu.memory_space<vmem>> -> memref<128xi32, #tpu.memory_space<vmem>>
    %dma_start3A_34 = arith.constant 0 : i32
    %dma_start3A_35 = arith.constant 0 : i32
    %dma_start3A_36 = tpu.memref_slice %arg3[%dma_start3A_34, %dma_start3A_35] : memref<100000x64xf32, #tpu.memory_space<hbm>> -> memref<100000x64xf32, #tpu.memory_space<hbm>>
    tpu.enqueue_indirect_dma source(%dma_start3A_36 : memref<100000x64xf32, #tpu.memory_space<hbm>>) target(%arg10 : memref<128x64xf32, #tpu.memory_space<vmem>>) offsets(%dma_start3A_33 : memref<128xi32, #tpu.memory_space<vmem>>) semaphore(%arg20 : memref<!tpu.dma_semaphore, #tpu.memory_space<semaphore_mem>>)
    %dma_start3A_37 = arith.constant 5 : i32
    %dma_start3A_38 = arith.constant 0 : i32
    %dma_start3A_39 = tpu.memref_slice %arg5[%dma_start3A_37, %dma_start3A_38] : memref<50x128xi32, #tpu.memory_space<vmem>> -> memref<1x128xi32, #tpu.memory_space<vmem>>
    %dma_start3A_40 = tpu.memref_squeeze %dma_start3A_39 : memref<1x128xi32, #tpu.memory_space<vmem>> -> memref<128xi32, #tpu.memory_space<vmem>>
    %dma_start3A_41 = arith.constant 0 : i32
    %dma_start3A_42 = arith.constant 0 : i32
    %dma_start3A_43 = tpu.memref_slice %arg3[%dma_start3A_41, %dma_start3A_42] : memref<100000x64xf32, #tpu.memory_space<hbm>> -> memref<100000x64xf32, #tpu.memory_space<hbm>>
    tpu.enqueue_indirect_dma source(%dma_start3A_43 : memref<100000x64xf32, #tpu.memory_space<hbm>>) target(%arg11 : memref<128x64xf32, #tpu.memory_space<vmem>>) offsets(%dma_start3A_40 : memref<128xi32, #tpu.memory_space<vmem>>) semaphore(%arg21 : memref<!tpu.dma_semaphore, #tpu.memory_space<semaphore_mem>>)
    %dma_start3A_44 = arith.constant 6 : i32
    %dma_start3A_45 = arith.constant 0 : i32
    %dma_start3A_46 = tpu.memref_slice %arg5[%dma_start3A_44, %dma_start3A_45] : memref<50x128xi32, #tpu.memory_space<vmem>> -> memref<1x128xi32, #tpu.memory_space<vmem>>
    %dma_start3A_47 = tpu.memref_squeeze %dma_start3A_46 : memref<1x128xi32, #tpu.memory_space<vmem>> -> memref<128xi32, #tpu.memory_space<vmem>>
    %dma_start3A_48 = arith.constant 0 : i32
    %dma_start3A_49 = arith.constant 0 : i32
    %dma_start3A_50 = tpu.memref_slice %arg3[%dma_start3A_48, %dma_start3A_49] : memref<100000x64xf32, #tpu.memory_space<hbm>> -> memref<100000x64xf32, #tpu.memory_space<hbm>>
    tpu.enqueue_indirect_dma source(%dma_start3A_50 : memref<100000x64xf32, #tpu.memory_space<hbm>>) target(%arg12 : memref<128x64xf32, #tpu.memory_space<vmem>>) offsets(%dma_start3A_47 : memref<128xi32, #tpu.memory_space<vmem>>) semaphore(%arg22 : memref<!tpu.dma_semaphore, #tpu.memory_space<semaphore_mem>>)
    %dma_start3A_51 = arith.constant 7 : i32
    %dma_start3A_52 = arith.constant 0 : i32
    %dma_start3A_53 = tpu.memref_slice %arg5[%dma_start3A_51, %dma_start3A_52] : memref<50x128xi32, #tpu.memory_space<vmem>> -> memref<1x128xi32, #tpu.memory_space<vmem>>
    %dma_start3A_54 = tpu.memref_squeeze %dma_start3A_53 : memref<1x128xi32, #tpu.memory_space<vmem>> -> memref<128xi32, #tpu.memory_space<vmem>>
    %dma_start3A_55 = arith.constant 0 : i32
    %dma_start3A_56 = arith.constant 0 : i32
    %dma_start3A_57 = tpu.memref_slice %arg3[%dma_start3A_55, %dma_start3A_56] : memref<100000x64xf32, #tpu.memory_space<hbm>> -> memref<100000x64xf32, #tpu.memory_space<hbm>>
    tpu.enqueue_indirect_dma source(%dma_start3A_57 : memref<100000x64xf32, #tpu.memory_space<hbm>>) target(%arg13 : memref<128x64xf32, #tpu.memory_space<vmem>>) offsets(%dma_start3A_54 : memref<128xi32, #tpu.memory_space<vmem>>) semaphore(%arg23 : memref<!tpu.dma_semaphore, #tpu.memory_space<semaphore_mem>>)
    %scan3A = arith.constant 0 : i32
    %scan3A_58 = arith.constant 0 : i32
    %scan3A_59 = arith.constant 5 : i32
    %scan3A_60 = arith.addi %scan3A_58, %scan3A_59 : i32
    %scan3A_61 = arith.constant 1 : i32
    scf.for %scan3A_122 = %scan3A_58 to %scan3A_60 step %scan3A_61  : i32 {
      %mul3A_123 = arith.constant 10 : i32
      %mul3A_124 = arith.muli %scan3A_122, %mul3A_123 : i32
      %add3A_125 = arith.constant 0 : i32
      %add3A_126 = arith.addi %mul3A_124, %add3A_125 : i32
      %dma_wait3A_127 = arith.constant 0 : i32
      %dma_wait3A_128 = tpu.memref_slice %arg5[%add3A_126, %dma_wait3A_127] : memref<50x128xi32, #tpu.memory_space<vmem>> -> memref<1x128xi32, #tpu.memory_space<vmem>>
      %dma_wait3A_129 = tpu.memref_squeeze %dma_wait3A_128 : memref<1x128xi32, #tpu.memory_space<vmem>> -> memref<128xi32, #tpu.memory_space<vmem>>
      %dma_wait3A_130 = arith.constant 0 : i32
      %dma_wait3A_131 = arith.constant 0 : i32
      %dma_wait3A_132 = tpu.memref_slice %arg3[%dma_wait3A_130, %dma_wait3A_131] : memref<100000x64xf32, #tpu.memory_space<hbm>> -> memref<100000x64xf32, #tpu.memory_space<hbm>>
      tpu.wait_indirect_dma semaphore(%arg16 : memref<!tpu.dma_semaphore, #tpu.memory_space<semaphore_mem>>) src(%dma_wait3A_132 : memref<100000x64xf32, #tpu.memory_space<hbm>>) dst(%arg6 : memref<128x64xf32, #tpu.memory_space<vmem>>)
      %mul3A_133 = arith.constant 128 : i32
      %mul3A_134 = arith.muli %add3A_126, %mul3A_133 : i32
      %add3A_135 = arith.addi %mul3A_2, %mul3A_134 : i32
      %dma_start3A_136 = arith.constant 0 : i32
      %dma_start3A_137 = tpu.memref_slice %arg4[%add3A_135, %dma_start3A_136] : memref<204800x64xf32, #tpu.memory_space<hbm>> -> memref<128x64xf32, #tpu.memory_space<hbm>>
      %dma_start3A_138 = arith.constant 0 : i32
      %dma_start3A_139 = tpu.memref_slice %arg4[%add3A_135, %dma_start3A_138] : memref<204800x64xf32, #tpu.memory_space<hbm>> -> memref<128x64xf32, #tpu.memory_space<hbm>>
      tpu.enqueue_dma source(%arg6 : memref<128x64xf32, #tpu.memory_space<vmem>>) target(%dma_start3A_139 : memref<128x64xf32, #tpu.memory_space<hbm>>) target_semaphore(%arg26 : memref<!tpu.dma_semaphore, #tpu.memory_space<semaphore_mem>>)
      %add3A_140 = arith.constant 8 : i32
      %add3A_141 = arith.addi %add3A_126, %add3A_140 : i32
      %lt3A = arith.constant 50 : i32
      %lt3A_142 = arith.cmpi slt, %add3A_141, %lt3A : i32
      %ge3A = arith.constant 10 : i32
      %ge3A_143 = arith.cmpi sge, %add3A_141, %ge3A : i32
      %and3A = arith.andi %lt3A_142, %ge3A_143 : i1
      %convert_element_type3A = arith.extui %and3A : i1 to i32
      %cond3A = arith.constant 0 : i32
      %cond3A_144 = arith.cmpi ne, %convert_element_type3A, %cond3A : i32
      scf.if %cond3A_144 {
        %sub3A = arith.constant 10 : i32
        %sub3A_438 = arith.subi %add3A_141, %sub3A : i32
        %mul3A_439 = arith.constant 128 : i32
        %mul3A_440 = arith.muli %sub3A_438, %mul3A_439 : i32
        %add3A_441 = arith.addi %mul3A_2, %mul3A_440 : i32
        %dma_wait3A_442 = arith.constant 0 : i32
        %dma_wait3A_443 = tpu.memref_slice %arg4[%add3A_441, %dma_wait3A_442] : memref<204800x64xf32, #tpu.memory_space<hbm>> -> memref<128x64xf32, #tpu.memory_space<hbm>>
        %dma_wait3A_444 = arith.constant 0 : i32
        %dma_wait3A_445 = tpu.memref_slice %arg4[%add3A_441, %dma_wait3A_444] : memref<204800x64xf32, #tpu.memory_space<hbm>> -> memref<128x64xf32, #tpu.memory_space<hbm>>
        tpu.wait_dma2 semaphore(%arg34 : memref<!tpu.dma_semaphore, #tpu.memory_space<semaphore_mem>>) src(%arg14 : memref<128x64xf32, #tpu.memory_space<vmem>>) dst(%dma_wait3A_445 : memref<128x64xf32, #tpu.memory_space<hbm>>)
      } else {
      }
      %lt3A_145 = arith.constant 50 : i32
      %lt3A_146 = arith.cmpi slt, %add3A_141, %lt3A_145 : i32
      %convert_element_type3A_147 = arith.extui %lt3A_146 : i1 to i32
      %cond3A_148 = arith.constant 0 : i32
      %cond3A_149 = arith.cmpi ne, %convert_element_type3A_147, %cond3A_148 : i32
      scf.if %cond3A_149 {
        %dma_start3A_438 = arith.constant 0 : i32
        %dma_start3A_439 = tpu.memref_slice %arg5[%add3A_141, %dma_start3A_438] : memref<50x128xi32, #tpu.memory_space<vmem>> -> memref<1x128xi32, #tpu.memory_space<vmem>>
        %dma_start3A_440 = tpu.memref_squeeze %dma_start3A_439 : memref<1x128xi32, #tpu.memory_space<vmem>> -> memref<128xi32, #tpu.memory_space<vmem>>
        %dma_start3A_441 = arith.constant 0 : i32
        %dma_start3A_442 = arith.constant 0 : i32
        %dma_start3A_443 = tpu.memref_slice %arg3[%dma_start3A_441, %dma_start3A_442] : memref<100000x64xf32, #tpu.memory_space<hbm>> -> memref<100000x64xf32, #tpu.memory_space<hbm>>
        tpu.enqueue_indirect_dma source(%dma_start3A_443 : memref<100000x64xf32, #tpu.memory_space<hbm>>) target(%arg14 : memref<128x64xf32, #tpu.memory_space<vmem>>) offsets(%dma_start3A_440 : memref<128xi32, #tpu.memory_space<vmem>>) semaphore(%arg24 : memref<!tpu.dma_semaphore, #tpu.memory_space<semaphore_mem>>)
      } else {
      }
      %mul3A_150 = arith.constant 10 : i32
      %mul3A_151 = arith.muli %scan3A_122, %mul3A_150 : i32
      %add3A_152 = arith.constant 1 : i32
      %add3A_153 = arith.addi %mul3A_151, %add3A_152 : i32
      %dma_wait3A_154 = arith.constant 0 : i32
      %dma_wait3A_155 = tpu.memref_slice %arg5[%add3A_153, %dma_wait3A_154] : memref<50x128xi32, #tpu.memory_space<vmem>> -> memref<1x128xi32, #tpu.memory_space<vmem>>
      %dma_wait3A_156 = tpu.memref_squeeze %dma_wait3A_155 : memref<1x128xi32, #tpu.memory_space<vmem>> -> memref<128xi32, #tpu.memory_space<vmem>>
      %dma_wait3A_157 = arith.constant 0 : i32
      %dma_wait3A_158 = arith.constant 0 : i32
      %dma_wait3A_159 = tpu.memref_slice %arg3[%dma_wait3A_157, %dma_wait3A_158] : memref<100000x64xf32, #tpu.memory_space<hbm>> -> memref<100000x64xf32, #tpu.memory_space<hbm>>
      tpu.wait_indirect_dma semaphore(%arg17 : memref<!tpu.dma_semaphore, #tpu.memory_space<semaphore_mem>>) src(%dma_wait3A_159 : memref<100000x64xf32, #tpu.memory_space<hbm>>) dst(%arg7 : memref<128x64xf32, #tpu.memory_space<vmem>>)
      %mul3A_160 = arith.constant 128 : i32
      %mul3A_161 = arith.muli %add3A_153, %mul3A_160 : i32
      %add3A_162 = arith.addi %mul3A_2, %mul3A_161 : i32
      %dma_start3A_163 = arith.constant 0 : i32
      %dma_start3A_164 = tpu.memref_slice %arg4[%add3A_162, %dma_start3A_163] : memref<204800x64xf32, #tpu.memory_space<hbm>> -> memref<128x64xf32, #tpu.memory_space<hbm>>
      %dma_start3A_165 = arith.constant 0 : i32
      %dma_start3A_166 = tpu.memref_slice %arg4[%add3A_162, %dma_start3A_165] : memref<204800x64xf32, #tpu.memory_space<hbm>> -> memref<128x64xf32, #tpu.memory_space<hbm>>
      tpu.enqueue_dma source(%arg7 : memref<128x64xf32, #tpu.memory_space<vmem>>) target(%dma_start3A_166 : memref<128x64xf32, #tpu.memory_space<hbm>>) target_semaphore(%arg27 : memref<!tpu.dma_semaphore, #tpu.memory_space<semaphore_mem>>)
      %add3A_167 = arith.constant 8 : i32
      %add3A_168 = arith.addi %add3A_153, %add3A_167 : i32
      %lt3A_169 = arith.constant 50 : i32
      %lt3A_170 = arith.cmpi slt, %add3A_168, %lt3A_169 : i32
      %ge3A_171 = arith.constant 10 : i32
      %ge3A_172 = arith.cmpi sge, %add3A_168, %ge3A_171 : i32
      %and3A_173 = arith.andi %lt3A_170, %ge3A_172 : i1
      %convert_element_type3A_174 = arith.extui %and3A_173 : i1 to i32
      %cond3A_175 = arith.constant 0 : i32
      %cond3A_176 = arith.cmpi ne, %convert_element_type3A_174, %cond3A_175 : i32
      scf.if %cond3A_176 {
        %sub3A = arith.constant 10 : i32
        %sub3A_438 = arith.subi %add3A_168, %sub3A : i32
        %mul3A_439 = arith.constant 128 : i32
        %mul3A_440 = arith.muli %sub3A_438, %mul3A_439 : i32
        %add3A_441 = arith.addi %mul3A_2, %mul3A_440 : i32
        %dma_wait3A_442 = arith.constant 0 : i32
        %dma_wait3A_443 = tpu.memref_slice %arg4[%add3A_441, %dma_wait3A_442] : memref<204800x64xf32, #tpu.memory_space<hbm>> -> memref<128x64xf32, #tpu.memory_space<hbm>>
        %dma_wait3A_444 = arith.constant 0 : i32
        %dma_wait3A_445 = tpu.memref_slice %arg4[%add3A_441, %dma_wait3A_444] : memref<204800x64xf32, #tpu.memory_space<hbm>> -> memref<128x64xf32, #tpu.memory_space<hbm>>
        tpu.wait_dma2 semaphore(%arg35 : memref<!tpu.dma_semaphore, #tpu.memory_space<semaphore_mem>>) src(%arg15 : memref<128x64xf32, #tpu.memory_space<vmem>>) dst(%dma_wait3A_445 : memref<128x64xf32, #tpu.memory_space<hbm>>)
      } else {
      }
      %lt3A_177 = arith.constant 50 : i32
      %lt3A_178 = arith.cmpi slt, %add3A_168, %lt3A_177 : i32
      %convert_element_type3A_179 = arith.extui %lt3A_178 : i1 to i32
      %cond3A_180 = arith.constant 0 : i32
      %cond3A_181 = arith.cmpi ne, %convert_element_type3A_179, %cond3A_180 : i32
      scf.if %cond3A_181 {
        %dma_start3A_438 = arith.constant 0 : i32
        %dma_start3A_439 = tpu.memref_slice %arg5[%add3A_168, %dma_start3A_438] : memref<50x128xi32, #tpu.memory_space<vmem>> -> memref<1x128xi32, #tpu.memory_space<vmem>>
        %dma_start3A_440 = tpu.memref_squeeze %dma_start3A_439 : memref<1x128xi32, #tpu.memory_space<vmem>> -> memref<128xi32, #tpu.memory_space<vmem>>
        %dma_start3A_441 = arith.constant 0 : i32
        %dma_start3A_442 = arith.constant 0 : i32
        %dma_start3A_443 = tpu.memref_slice %arg3[%dma_start3A_441, %dma_start3A_442] : memref<100000x64xf32, #tpu.memory_space<hbm>> -> memref<100000x64xf32, #tpu.memory_space<hbm>>
        tpu.enqueue_indirect_dma source(%dma_start3A_443 : memref<100000x64xf32, #tpu.memory_space<hbm>>) target(%arg15 : memref<128x64xf32, #tpu.memory_space<vmem>>) offsets(%dma_start3A_440 : memref<128xi32, #tpu.memory_space<vmem>>) semaphore(%arg25 : memref<!tpu.dma_semaphore, #tpu.memory_space<semaphore_mem>>)
      } else {
      }
      %mul3A_182 = arith.constant 10 : i32
      %mul3A_183 = arith.muli %scan3A_122, %mul3A_182 : i32
      %add3A_184 = arith.constant 2 : i32
      %add3A_185 = arith.addi %mul3A_183, %add3A_184 : i32
      %dma_wait3A_186 = arith.constant 0 : i32
      %dma_wait3A_187 = tpu.memref_slice %arg5[%add3A_185, %dma_wait3A_186] : memref<50x128xi32, #tpu.memory_space<vmem>> -> memref<1x128xi32, #tpu.memory_space<vmem>>
      %dma_wait3A_188 = tpu.memref_squeeze %dma_wait3A_187 : memref<1x128xi32, #tpu.memory_space<vmem>> -> memref<128xi32, #tpu.memory_space<vmem>>
      %dma_wait3A_189 = arith.constant 0 : i32
      %dma_wait3A_190 = arith.constant 0 : i32
      %dma_wait3A_191 = tpu.memref_slice %arg3[%dma_wait3A_189, %dma_wait3A_190] : memref<100000x64xf32, #tpu.memory_space<hbm>> -> memref<100000x64xf32, #tpu.memory_space<hbm>>
      tpu.wait_indirect_dma semaphore(%arg18 : memref<!tpu.dma_semaphore, #tpu.memory_space<semaphore_mem>>) src(%dma_wait3A_191 : memref<100000x64xf32, #tpu.memory_space<hbm>>) dst(%arg8 : memref<128x64xf32, #tpu.memory_space<vmem>>)
      %mul3A_192 = arith.constant 128 : i32
      %mul3A_193 = arith.muli %add3A_185, %mul3A_192 : i32
      %add3A_194 = arith.addi %mul3A_2, %mul3A_193 : i32
      %dma_start3A_195 = arith.constant 0 : i32
      %dma_start3A_196 = tpu.memref_slice %arg4[%add3A_194, %dma_start3A_195] : memref<204800x64xf32, #tpu.memory_space<hbm>> -> memref<128x64xf32, #tpu.memory_space<hbm>>
      %dma_start3A_197 = arith.constant 0 : i32
      %dma_start3A_198 = tpu.memref_slice %arg4[%add3A_194, %dma_start3A_197] : memref<204800x64xf32, #tpu.memory_space<hbm>> -> memref<128x64xf32, #tpu.memory_space<hbm>>
      tpu.enqueue_dma source(%arg8 : memref<128x64xf32, #tpu.memory_space<vmem>>) target(%dma_start3A_198 : memref<128x64xf32, #tpu.memory_space<hbm>>) target_semaphore(%arg28 : memref<!tpu.dma_semaphore, #tpu.memory_space<semaphore_mem>>)
      %add3A_199 = arith.constant 8 : i32
      %add3A_200 = arith.addi %add3A_185, %add3A_199 : i32
      %lt3A_201 = arith.constant 50 : i32
      %lt3A_202 = arith.cmpi slt, %add3A_200, %lt3A_201 : i32
      %ge3A_203 = arith.constant 10 : i32
      %ge3A_204 = arith.cmpi sge, %add3A_200, %ge3A_203 : i32
      %and3A_205 = arith.andi %lt3A_202, %ge3A_204 : i1
      %convert_element_type3A_206 = arith.extui %and3A_205 : i1 to i32
      %cond3A_207 = arith.constant 0 : i32
      %cond3A_208 = arith.cmpi ne, %convert_element_type3A_206, %cond3A_207 : i32
      scf.if %cond3A_208 {
        %sub3A = arith.constant 10 : i32
        %sub3A_438 = arith.subi %add3A_200, %sub3A : i32
        %mul3A_439 = arith.constant 128 : i32
        %mul3A_440 = arith.muli %sub3A_438, %mul3A_439 : i32
        %add3A_441 = arith.addi %mul3A_2, %mul3A_440 : i32
        %dma_wait3A_442 = arith.constant 0 : i32
        %dma_wait3A_443 = tpu.memref_slice %arg4[%add3A_441, %dma_wait3A_442] : memref<204800x64xf32, #tpu.memory_space<hbm>> -> memref<128x64xf32, #tpu.memory_space<hbm>>
        %dma_wait3A_444 = arith.constant 0 : i32
        %dma_wait3A_445 = tpu.memref_slice %arg4[%add3A_441, %dma_wait3A_444] : memref<204800x64xf32, #tpu.memory_space<hbm>> -> memref<128x64xf32, #tpu.memory_space<hbm>>
        tpu.wait_dma2 semaphore(%arg26 : memref<!tpu.dma_semaphore, #tpu.memory_space<semaphore_mem>>) src(%arg6 : memref<128x64xf32, #tpu.memory_space<vmem>>) dst(%dma_wait3A_445 : memref<128x64xf32, #tpu.memory_space<hbm>>)
      } else {
      }
      %lt3A_209 = arith.constant 50 : i32
      %lt3A_210 = arith.cmpi slt, %add3A_200, %lt3A_209 : i32
      %convert_element_type3A_211 = arith.extui %lt3A_210 : i1 to i32
      %cond3A_212 = arith.constant 0 : i32
      %cond3A_213 = arith.cmpi ne, %convert_element_type3A_211, %cond3A_212 : i32
      scf.if %cond3A_213 {
        %dma_start3A_438 = arith.constant 0 : i32
        %dma_start3A_439 = tpu.memref_slice %arg5[%add3A_200, %dma_start3A_438] : memref<50x128xi32, #tpu.memory_space<vmem>> -> memref<1x128xi32, #tpu.memory_space<vmem>>
        %dma_start3A_440 = tpu.memref_squeeze %dma_start3A_439 : memref<1x128xi32, #tpu.memory_space<vmem>> -> memref<128xi32, #tpu.memory_space<vmem>>
        %dma_start3A_441 = arith.constant 0 : i32
        %dma_start3A_442 = arith.constant 0 : i32
        %dma_start3A_443 = tpu.memref_slice %arg3[%dma_start3A_441, %dma_start3A_442] : memref<100000x64xf32, #tpu.memory_space<hbm>> -> memref<100000x64xf32, #tpu.memory_space<hbm>>
        tpu.enqueue_indirect_dma source(%dma_start3A_443 : memref<100000x64xf32, #tpu.memory_space<hbm>>) target(%arg6 : memref<128x64xf32, #tpu.memory_space<vmem>>) offsets(%dma_start3A_440 : memref<128xi32, #tpu.memory_space<vmem>>) semaphore(%arg16 : memref<!tpu.dma_semaphore, #tpu.memory_space<semaphore_mem>>)
      } else {
      }
      %mul3A_214 = arith.constant 10 : i32
      %mul3A_215 = arith.muli %scan3A_122, %mul3A_214 : i32
      %add3A_216 = arith.constant 3 : i32
      %add3A_217 = arith.addi %mul3A_215, %add3A_216 : i32
      %dma_wait3A_218 = arith.constant 0 : i32
      %dma_wait3A_219 = tpu.memref_slice %arg5[%add3A_217, %dma_wait3A_218] : memref<50x128xi32, #tpu.memory_space<vmem>> -> memref<1x128xi32, #tpu.memory_space<vmem>>
      %dma_wait3A_220 = tpu.memref_squeeze %dma_wait3A_219 : memref<1x128xi32, #tpu.memory_space<vmem>> -> memref<128xi32, #tpu.memory_space<vmem>>
      %dma_wait3A_221 = arith.constant 0 : i32
      %dma_wait3A_222 = arith.constant 0 : i32
      %dma_wait3A_223 = tpu.memref_slice %arg3[%dma_wait3A_221, %dma_wait3A_222] : memref<100000x64xf32, #tpu.memory_space<hbm>> -> memref<100000x64xf32, #tpu.memory_space<hbm>>
      tpu.wait_indirect_dma semaphore(%arg19 : memref<!tpu.dma_semaphore, #tpu.memory_space<semaphore_mem>>) src(%dma_wait3A_223 : memref<100000x64xf32, #tpu.memory_space<hbm>>) dst(%arg9 : memref<128x64xf32, #tpu.memory_space<vmem>>)
      %mul3A_224 = arith.constant 128 : i32
      %mul3A_225 = arith.muli %add3A_217, %mul3A_224 : i32
      %add3A_226 = arith.addi %mul3A_2, %mul3A_225 : i32
      %dma_start3A_227 = arith.constant 0 : i32
      %dma_start3A_228 = tpu.memref_slice %arg4[%add3A_226, %dma_start3A_227] : memref<204800x64xf32, #tpu.memory_space<hbm>> -> memref<128x64xf32, #tpu.memory_space<hbm>>
      %dma_start3A_229 = arith.constant 0 : i32
      %dma_start3A_230 = tpu.memref_slice %arg4[%add3A_226, %dma_start3A_229] : memref<204800x64xf32, #tpu.memory_space<hbm>> -> memref<128x64xf32, #tpu.memory_space<hbm>>
      tpu.enqueue_dma source(%arg9 : memref<128x64xf32, #tpu.memory_space<vmem>>) target(%dma_start3A_230 : memref<128x64xf32, #tpu.memory_space<hbm>>) target_semaphore(%arg29 : memref<!tpu.dma_semaphore, #tpu.memory_space<semaphore_mem>>)
      %add3A_231 = arith.constant 8 : i32
      %add3A_232 = arith.addi %add3A_217, %add3A_231 : i32
      %lt3A_233 = arith.constant 50 : i32
      %lt3A_234 = arith.cmpi slt, %add3A_232, %lt3A_233 : i32
      %ge3A_235 = arith.constant 10 : i32
      %ge3A_236 = arith.cmpi sge, %add3A_232, %ge3A_235 : i32
      %and3A_237 = arith.andi %lt3A_234, %ge3A_236 : i1
      %convert_element_type3A_238 = arith.extui %and3A_237 : i1 to i32
      %cond3A_239 = arith.constant 0 : i32
      %cond3A_240 = arith.cmpi ne, %convert_element_type3A_238, %cond3A_239 : i32
      scf.if %cond3A_240 {
        %sub3A = arith.constant 10 : i32
        %sub3A_438 = arith.subi %add3A_232, %sub3A : i32
        %mul3A_439 = arith.constant 128 : i32
        %mul3A_440 = arith.muli %sub3A_438, %mul3A_439 : i32
        %add3A_441 = arith.addi %mul3A_2, %mul3A_440 : i32
        %dma_wait3A_442 = arith.constant 0 : i32
        %dma_wait3A_443 = tpu.memref_slice %arg4[%add3A_441, %dma_wait3A_442] : memref<204800x64xf32, #tpu.memory_space<hbm>> -> memref<128x64xf32, #tpu.memory_space<hbm>>
        %dma_wait3A_444 = arith.constant 0 : i32
        %dma_wait3A_445 = tpu.memref_slice %arg4[%add3A_441, %dma_wait3A_444] : memref<204800x64xf32, #tpu.memory_space<hbm>> -> memref<128x64xf32, #tpu.memory_space<hbm>>
        tpu.wait_dma2 semaphore(%arg27 : memref<!tpu.dma_semaphore, #tpu.memory_space<semaphore_mem>>) src(%arg7 : memref<128x64xf32, #tpu.memory_space<vmem>>) dst(%dma_wait3A_445 : memref<128x64xf32, #tpu.memory_space<hbm>>)
      } else {
      }
      %lt3A_241 = arith.constant 50 : i32
      %lt3A_242 = arith.cmpi slt, %add3A_232, %lt3A_241 : i32
      %convert_element_type3A_243 = arith.extui %lt3A_242 : i1 to i32
      %cond3A_244 = arith.constant 0 : i32
      %cond3A_245 = arith.cmpi ne, %convert_element_type3A_243, %cond3A_244 : i32
      scf.if %cond3A_245 {
        %dma_start3A_438 = arith.constant 0 : i32
        %dma_start3A_439 = tpu.memref_slice %arg5[%add3A_232, %dma_start3A_438] : memref<50x128xi32, #tpu.memory_space<vmem>> -> memref<1x128xi32, #tpu.memory_space<vmem>>
        %dma_start3A_440 = tpu.memref_squeeze %dma_start3A_439 : memref<1x128xi32, #tpu.memory_space<vmem>> -> memref<128xi32, #tpu.memory_space<vmem>>
        %dma_start3A_441 = arith.constant 0 : i32
        %dma_start3A_442 = arith.constant 0 : i32
        %dma_start3A_443 = tpu.memref_slice %arg3[%dma_start3A_441, %dma_start3A_442] : memref<100000x64xf32, #tpu.memory_space<hbm>> -> memref<100000x64xf32, #tpu.memory_space<hbm>>
        tpu.enqueue_indirect_dma source(%dma_start3A_443 : memref<100000x64xf32, #tpu.memory_space<hbm>>) target(%arg7 : memref<128x64xf32, #tpu.memory_space<vmem>>) offsets(%dma_start3A_440 : memref<128xi32, #tpu.memory_space<vmem>>) semaphore(%arg17 : memref<!tpu.dma_semaphore, #tpu.memory_space<semaphore_mem>>)
      } else {
      }
      %mul3A_246 = arith.constant 10 : i32
      %mul3A_247 = arith.muli %scan3A_122, %mul3A_246 : i32
      %add3A_248 = arith.constant 4 : i32
      %add3A_249 = arith.addi %mul3A_247, %add3A_248 : i32
      %dma_wait3A_250 = arith.constant 0 : i32
      %dma_wait3A_251 = tpu.memref_slice %arg5[%add3A_249, %dma_wait3A_250] : memref<50x128xi32, #tpu.memory_space<vmem>> -> memref<1x128xi32, #tpu.memory_space<vmem>>
      %dma_wait3A_252 = tpu.memref_squeeze %dma_wait3A_251 : memref<1x128xi32, #tpu.memory_space<vmem>> -> memref<128xi32, #tpu.memory_space<vmem>>
      %dma_wait3A_253 = arith.constant 0 : i32
      %dma_wait3A_254 = arith.constant 0 : i32
      %dma_wait3A_255 = tpu.memref_slice %arg3[%dma_wait3A_253, %dma_wait3A_254] : memref<100000x64xf32, #tpu.memory_space<hbm>> -> memref<100000x64xf32, #tpu.memory_space<hbm>>
      tpu.wait_indirect_dma semaphore(%arg20 : memref<!tpu.dma_semaphore, #tpu.memory_space<semaphore_mem>>) src(%dma_wait3A_255 : memref<100000x64xf32, #tpu.memory_space<hbm>>) dst(%arg10 : memref<128x64xf32, #tpu.memory_space<vmem>>)
      %mul3A_256 = arith.constant 128 : i32
      %mul3A_257 = arith.muli %add3A_249, %mul3A_256 : i32
      %add3A_258 = arith.addi %mul3A_2, %mul3A_257 : i32
      %dma_start3A_259 = arith.constant 0 : i32
      %dma_start3A_260 = tpu.memref_slice %arg4[%add3A_258, %dma_start3A_259] : memref<204800x64xf32, #tpu.memory_space<hbm>> -> memref<128x64xf32, #tpu.memory_space<hbm>>
      %dma_start3A_261 = arith.constant 0 : i32
      %dma_start3A_262 = tpu.memref_slice %arg4[%add3A_258, %dma_start3A_261] : memref<204800x64xf32, #tpu.memory_space<hbm>> -> memref<128x64xf32, #tpu.memory_space<hbm>>
      tpu.enqueue_dma source(%arg10 : memref<128x64xf32, #tpu.memory_space<vmem>>) target(%dma_start3A_262 : memref<128x64xf32, #tpu.memory_space<hbm>>) target_semaphore(%arg30 : memref<!tpu.dma_semaphore, #tpu.memory_space<semaphore_mem>>)
      %add3A_263 = arith.constant 8 : i32
      %add3A_264 = arith.addi %add3A_249, %add3A_263 : i32
      %lt3A_265 = arith.constant 50 : i32
      %lt3A_266 = arith.cmpi slt, %add3A_264, %lt3A_265 : i32
      %ge3A_267 = arith.constant 10 : i32
      %ge3A_268 = arith.cmpi sge, %add3A_264, %ge3A_267 : i32
      %and3A_269 = arith.andi %lt3A_266, %ge3A_268 : i1
      %convert_element_type3A_270 = arith.extui %and3A_269 : i1 to i32
      %cond3A_271 = arith.constant 0 : i32
      %cond3A_272 = arith.cmpi ne, %convert_element_type3A_270, %cond3A_271 : i32
      scf.if %cond3A_272 {
        %sub3A = arith.constant 10 : i32
        %sub3A_438 = arith.subi %add3A_264, %sub3A : i32
        %mul3A_439 = arith.constant 128 : i32
        %mul3A_440 = arith.muli %sub3A_438, %mul3A_439 : i32
        %add3A_441 = arith.addi %mul3A_2, %mul3A_440 : i32
        %dma_wait3A_442 = arith.constant 0 : i32
        %dma_wait3A_443 = tpu.memref_slice %arg4[%add3A_441, %dma_wait3A_442] : memref<204800x64xf32, #tpu.memory_space<hbm>> -> memref<128x64xf32, #tpu.memory_space<hbm>>
        %dma_wait3A_444 = arith.constant 0 : i32
        %dma_wait3A_445 = tpu.memref_slice %arg4[%add3A_441, %dma_wait3A_444] : memref<204800x64xf32, #tpu.memory_space<hbm>> -> memref<128x64xf32, #tpu.memory_space<hbm>>
        tpu.wait_dma2 semaphore(%arg28 : memref<!tpu.dma_semaphore, #tpu.memory_space<semaphore_mem>>) src(%arg8 : memref<128x64xf32, #tpu.memory_space<vmem>>) dst(%dma_wait3A_445 : memref<128x64xf32, #tpu.memory_space<hbm>>)
      } else {
      }
      %lt3A_273 = arith.constant 50 : i32
      %lt3A_274 = arith.cmpi slt, %add3A_264, %lt3A_273 : i32
      %convert_element_type3A_275 = arith.extui %lt3A_274 : i1 to i32
      %cond3A_276 = arith.constant 0 : i32
      %cond3A_277 = arith.cmpi ne, %convert_element_type3A_275, %cond3A_276 : i32
      scf.if %cond3A_277 {
        %dma_start3A_438 = arith.constant 0 : i32
        %dma_start3A_439 = tpu.memref_slice %arg5[%add3A_264, %dma_start3A_438] : memref<50x128xi32, #tpu.memory_space<vmem>> -> memref<1x128xi32, #tpu.memory_space<vmem>>
        %dma_start3A_440 = tpu.memref_squeeze %dma_start3A_439 : memref<1x128xi32, #tpu.memory_space<vmem>> -> memref<128xi32, #tpu.memory_space<vmem>>
        %dma_start3A_441 = arith.constant 0 : i32
        %dma_start3A_442 = arith.constant 0 : i32
        %dma_start3A_443 = tpu.memref_slice %arg3[%dma_start3A_441, %dma_start3A_442] : memref<100000x64xf32, #tpu.memory_space<hbm>> -> memref<100000x64xf32, #tpu.memory_space<hbm>>
        tpu.enqueue_indirect_dma source(%dma_start3A_443 : memref<100000x64xf32, #tpu.memory_space<hbm>>) target(%arg8 : memref<128x64xf32, #tpu.memory_space<vmem>>) offsets(%dma_start3A_440 : memref<128xi32, #tpu.memory_space<vmem>>) semaphore(%arg18 : memref<!tpu.dma_semaphore, #tpu.memory_space<semaphore_mem>>)
      } else {
      }
      %mul3A_278 = arith.constant 10 : i32
      %mul3A_279 = arith.muli %scan3A_122, %mul3A_278 : i32
      %add3A_280 = arith.constant 5 : i32
      %add3A_281 = arith.addi %mul3A_279, %add3A_280 : i32
      %dma_wait3A_282 = arith.constant 0 : i32
      %dma_wait3A_283 = tpu.memref_slice %arg5[%add3A_281, %dma_wait3A_282] : memref<50x128xi32, #tpu.memory_space<vmem>> -> memref<1x128xi32, #tpu.memory_space<vmem>>
      %dma_wait3A_284 = tpu.memref_squeeze %dma_wait3A_283 : memref<1x128xi32, #tpu.memory_space<vmem>> -> memref<128xi32, #tpu.memory_space<vmem>>
      %dma_wait3A_285 = arith.constant 0 : i32
      %dma_wait3A_286 = arith.constant 0 : i32
      %dma_wait3A_287 = tpu.memref_slice %arg3[%dma_wait3A_285, %dma_wait3A_286] : memref<100000x64xf32, #tpu.memory_space<hbm>> -> memref<100000x64xf32, #tpu.memory_space<hbm>>
      tpu.wait_indirect_dma semaphore(%arg21 : memref<!tpu.dma_semaphore, #tpu.memory_space<semaphore_mem>>) src(%dma_wait3A_287 : memref<100000x64xf32, #tpu.memory_space<hbm>>) dst(%arg11 : memref<128x64xf32, #tpu.memory_space<vmem>>)
      %mul3A_288 = arith.constant 128 : i32
      %mul3A_289 = arith.muli %add3A_281, %mul3A_288 : i32
      %add3A_290 = arith.addi %mul3A_2, %mul3A_289 : i32
      %dma_start3A_291 = arith.constant 0 : i32
      %dma_start3A_292 = tpu.memref_slice %arg4[%add3A_290, %dma_start3A_291] : memref<204800x64xf32, #tpu.memory_space<hbm>> -> memref<128x64xf32, #tpu.memory_space<hbm>>
      %dma_start3A_293 = arith.constant 0 : i32
      %dma_start3A_294 = tpu.memref_slice %arg4[%add3A_290, %dma_start3A_293] : memref<204800x64xf32, #tpu.memory_space<hbm>> -> memref<128x64xf32, #tpu.memory_space<hbm>>
      tpu.enqueue_dma source(%arg11 : memref<128x64xf32, #tpu.memory_space<vmem>>) target(%dma_start3A_294 : memref<128x64xf32, #tpu.memory_space<hbm>>) target_semaphore(%arg31 : memref<!tpu.dma_semaphore, #tpu.memory_space<semaphore_mem>>)
      %add3A_295 = arith.constant 8 : i32
      %add3A_296 = arith.addi %add3A_281, %add3A_295 : i32
      %lt3A_297 = arith.constant 50 : i32
      %lt3A_298 = arith.cmpi slt, %add3A_296, %lt3A_297 : i32
      %ge3A_299 = arith.constant 10 : i32
      %ge3A_300 = arith.cmpi sge, %add3A_296, %ge3A_299 : i32
      %and3A_301 = arith.andi %lt3A_298, %ge3A_300 : i1
      %convert_element_type3A_302 = arith.extui %and3A_301 : i1 to i32
      %cond3A_303 = arith.constant 0 : i32
      %cond3A_304 = arith.cmpi ne, %convert_element_type3A_302, %cond3A_303 : i32
      scf.if %cond3A_304 {
        %sub3A = arith.constant 10 : i32
        %sub3A_438 = arith.subi %add3A_296, %sub3A : i32
        %mul3A_439 = arith.constant 128 : i32
        %mul3A_440 = arith.muli %sub3A_438, %mul3A_439 : i32
        %add3A_441 = arith.addi %mul3A_2, %mul3A_440 : i32
        %dma_wait3A_442 = arith.constant 0 : i32
        %dma_wait3A_443 = tpu.memref_slice %arg4[%add3A_441, %dma_wait3A_442] : memref<204800x64xf32, #tpu.memory_space<hbm>> -> memref<128x64xf32, #tpu.memory_space<hbm>>
        %dma_wait3A_444 = arith.constant 0 : i32
        %dma_wait3A_445 = tpu.memref_slice %arg4[%add3A_441, %dma_wait3A_444] : memref<204800x64xf32, #tpu.memory_space<hbm>> -> memref<128x64xf32, #tpu.memory_space<hbm>>
        tpu.wait_dma2 semaphore(%arg29 : memref<!tpu.dma_semaphore, #tpu.memory_space<semaphore_mem>>) src(%arg9 : memref<128x64xf32, #tpu.memory_space<vmem>>) dst(%dma_wait3A_445 : memref<128x64xf32, #tpu.memory_space<hbm>>)
      } else {
      }
      %lt3A_305 = arith.constant 50 : i32
      %lt3A_306 = arith.cmpi slt, %add3A_296, %lt3A_305 : i32
      %convert_element_type3A_307 = arith.extui %lt3A_306 : i1 to i32
      %cond3A_308 = arith.constant 0 : i32
      %cond3A_309 = arith.cmpi ne, %convert_element_type3A_307, %cond3A_308 : i32
      scf.if %cond3A_309 {
        %dma_start3A_438 = arith.constant 0 : i32
        %dma_start3A_439 = tpu.memref_slice %arg5[%add3A_296, %dma_start3A_438] : memref<50x128xi32, #tpu.memory_space<vmem>> -> memref<1x128xi32, #tpu.memory_space<vmem>>
        %dma_start3A_440 = tpu.memref_squeeze %dma_start3A_439 : memref<1x128xi32, #tpu.memory_space<vmem>> -> memref<128xi32, #tpu.memory_space<vmem>>
        %dma_start3A_441 = arith.constant 0 : i32
        %dma_start3A_442 = arith.constant 0 : i32
        %dma_start3A_443 = tpu.memref_slice %arg3[%dma_start3A_441, %dma_start3A_442] : memref<100000x64xf32, #tpu.memory_space<hbm>> -> memref<100000x64xf32, #tpu.memory_space<hbm>>
        tpu.enqueue_indirect_dma source(%dma_start3A_443 : memref<100000x64xf32, #tpu.memory_space<hbm>>) target(%arg9 : memref<128x64xf32, #tpu.memory_space<vmem>>) offsets(%dma_start3A_440 : memref<128xi32, #tpu.memory_space<vmem>>) semaphore(%arg19 : memref<!tpu.dma_semaphore, #tpu.memory_space<semaphore_mem>>)
      } else {
      }
      %mul3A_310 = arith.constant 10 : i32
      %mul3A_311 = arith.muli %scan3A_122, %mul3A_310 : i32
      %add3A_312 = arith.constant 6 : i32
      %add3A_313 = arith.addi %mul3A_311, %add3A_312 : i32
      %dma_wait3A_314 = arith.constant 0 : i32
      %dma_wait3A_315 = tpu.memref_slice %arg5[%add3A_313, %dma_wait3A_314] : memref<50x128xi32, #tpu.memory_space<vmem>> -> memref<1x128xi32, #tpu.memory_space<vmem>>
      %dma_wait3A_316 = tpu.memref_squeeze %dma_wait3A_315 : memref<1x128xi32, #tpu.memory_space<vmem>> -> memref<128xi32, #tpu.memory_space<vmem>>
      %dma_wait3A_317 = arith.constant 0 : i32
      %dma_wait3A_318 = arith.constant 0 : i32
      %dma_wait3A_319 = tpu.memref_slice %arg3[%dma_wait3A_317, %dma_wait3A_318] : memref<100000x64xf32, #tpu.memory_space<hbm>> -> memref<100000x64xf32, #tpu.memory_space<hbm>>
      tpu.wait_indirect_dma semaphore(%arg22 : memref<!tpu.dma_semaphore, #tpu.memory_space<semaphore_mem>>) src(%dma_wait3A_319 : memref<100000x64xf32, #tpu.memory_space<hbm>>) dst(%arg12 : memref<128x64xf32, #tpu.memory_space<vmem>>)
      %mul3A_320 = arith.constant 128 : i32
      %mul3A_321 = arith.muli %add3A_313, %mul3A_320 : i32
      %add3A_322 = arith.addi %mul3A_2, %mul3A_321 : i32
      %dma_start3A_323 = arith.constant 0 : i32
      %dma_start3A_324 = tpu.memref_slice %arg4[%add3A_322, %dma_start3A_323] : memref<204800x64xf32, #tpu.memory_space<hbm>> -> memref<128x64xf32, #tpu.memory_space<hbm>>
      %dma_start3A_325 = arith.constant 0 : i32
      %dma_start3A_326 = tpu.memref_slice %arg4[%add3A_322, %dma_start3A_325] : memref<204800x64xf32, #tpu.memory_space<hbm>> -> memref<128x64xf32, #tpu.memory_space<hbm>>
      tpu.enqueue_dma source(%arg12 : memref<128x64xf32, #tpu.memory_space<vmem>>) target(%dma_start3A_326 : memref<128x64xf32, #tpu.memory_space<hbm>>) target_semaphore(%arg32 : memref<!tpu.dma_semaphore, #tpu.memory_space<semaphore_mem>>)
      %add3A_327 = arith.constant 8 : i32
      %add3A_328 = arith.addi %add3A_313, %add3A_327 : i32
      %lt3A_329 = arith.constant 50 : i32
      %lt3A_330 = arith.cmpi slt, %add3A_328, %lt3A_329 : i32
      %ge3A_331 = arith.constant 10 : i32
      %ge3A_332 = arith.cmpi sge, %add3A_328, %ge3A_331 : i32
      %and3A_333 = arith.andi %lt3A_330, %ge3A_332 : i1
      %convert_element_type3A_334 = arith.extui %and3A_333 : i1 to i32
      %cond3A_335 = arith.constant 0 : i32
      %cond3A_336 = arith.cmpi ne, %convert_element_type3A_334, %cond3A_335 : i32
      scf.if %cond3A_336 {
        %sub3A = arith.constant 10 : i32
        %sub3A_438 = arith.subi %add3A_328, %sub3A : i32
        %mul3A_439 = arith.constant 128 : i32
        %mul3A_440 = arith.muli %sub3A_438, %mul3A_439 : i32
        %add3A_441 = arith.addi %mul3A_2, %mul3A_440 : i32
        %dma_wait3A_442 = arith.constant 0 : i32
        %dma_wait3A_443 = tpu.memref_slice %arg4[%add3A_441, %dma_wait3A_442] : memref<204800x64xf32, #tpu.memory_space<hbm>> -> memref<128x64xf32, #tpu.memory_space<hbm>>
        %dma_wait3A_444 = arith.constant 0 : i32
        %dma_wait3A_445 = tpu.memref_slice %arg4[%add3A_441, %dma_wait3A_444] : memref<204800x64xf32, #tpu.memory_space<hbm>> -> memref<128x64xf32, #tpu.memory_space<hbm>>
        tpu.wait_dma2 semaphore(%arg30 : memref<!tpu.dma_semaphore, #tpu.memory_space<semaphore_mem>>) src(%arg10 : memref<128x64xf32, #tpu.memory_space<vmem>>) dst(%dma_wait3A_445 : memref<128x64xf32, #tpu.memory_space<hbm>>)
      } else {
      }
      %lt3A_337 = arith.constant 50 : i32
      %lt3A_338 = arith.cmpi slt, %add3A_328, %lt3A_337 : i32
      %convert_element_type3A_339 = arith.extui %lt3A_338 : i1 to i32
      %cond3A_340 = arith.constant 0 : i32
      %cond3A_341 = arith.cmpi ne, %convert_element_type3A_339, %cond3A_340 : i32
      scf.if %cond3A_341 {
        %dma_start3A_438 = arith.constant 0 : i32
        %dma_start3A_439 = tpu.memref_slice %arg5[%add3A_328, %dma_start3A_438] : memref<50x128xi32, #tpu.memory_space<vmem>> -> memref<1x128xi32, #tpu.memory_space<vmem>>
        %dma_start3A_440 = tpu.memref_squeeze %dma_start3A_439 : memref<1x128xi32, #tpu.memory_space<vmem>> -> memref<128xi32, #tpu.memory_space<vmem>>
        %dma_start3A_441 = arith.constant 0 : i32
        %dma_start3A_442 = arith.constant 0 : i32
        %dma_start3A_443 = tpu.memref_slice %arg3[%dma_start3A_441, %dma_start3A_442] : memref<100000x64xf32, #tpu.memory_space<hbm>> -> memref<100000x64xf32, #tpu.memory_space<hbm>>
        tpu.enqueue_indirect_dma source(%dma_start3A_443 : memref<100000x64xf32, #tpu.memory_space<hbm>>) target(%arg10 : memref<128x64xf32, #tpu.memory_space<vmem>>) offsets(%dma_start3A_440 : memref<128xi32, #tpu.memory_space<vmem>>) semaphore(%arg20 : memref<!tpu.dma_semaphore, #tpu.memory_space<semaphore_mem>>)
      } else {
      }
      %mul3A_342 = arith.constant 10 : i32
      %mul3A_343 = arith.muli %scan3A_122, %mul3A_342 : i32
      %add3A_344 = arith.constant 7 : i32
      %add3A_345 = arith.addi %mul3A_343, %add3A_344 : i32
      %dma_wait3A_346 = arith.constant 0 : i32
      %dma_wait3A_347 = tpu.memref_slice %arg5[%add3A_345, %dma_wait3A_346] : memref<50x128xi32, #tpu.memory_space<vmem>> -> memref<1x128xi32, #tpu.memory_space<vmem>>
      %dma_wait3A_348 = tpu.memref_squeeze %dma_wait3A_347 : memref<1x128xi32, #tpu.memory_space<vmem>> -> memref<128xi32, #tpu.memory_space<vmem>>
      %dma_wait3A_349 = arith.constant 0 : i32
      %dma_wait3A_350 = arith.constant 0 : i32
      %dma_wait3A_351 = tpu.memref_slice %arg3[%dma_wait3A_349, %dma_wait3A_350] : memref<100000x64xf32, #tpu.memory_space<hbm>> -> memref<100000x64xf32, #tpu.memory_space<hbm>>
      tpu.wait_indirect_dma semaphore(%arg23 : memref<!tpu.dma_semaphore, #tpu.memory_space<semaphore_mem>>) src(%dma_wait3A_351 : memref<100000x64xf32, #tpu.memory_space<hbm>>) dst(%arg13 : memref<128x64xf32, #tpu.memory_space<vmem>>)
      %mul3A_352 = arith.constant 128 : i32
      %mul3A_353 = arith.muli %add3A_345, %mul3A_352 : i32
      %add3A_354 = arith.addi %mul3A_2, %mul3A_353 : i32
      %dma_start3A_355 = arith.constant 0 : i32
      %dma_start3A_356 = tpu.memref_slice %arg4[%add3A_354, %dma_start3A_355] : memref<204800x64xf32, #tpu.memory_space<hbm>> -> memref<128x64xf32, #tpu.memory_space<hbm>>
      %dma_start3A_357 = arith.constant 0 : i32
      %dma_start3A_358 = tpu.memref_slice %arg4[%add3A_354, %dma_start3A_357] : memref<204800x64xf32, #tpu.memory_space<hbm>> -> memref<128x64xf32, #tpu.memory_space<hbm>>
      tpu.enqueue_dma source(%arg13 : memref<128x64xf32, #tpu.memory_space<vmem>>) target(%dma_start3A_358 : memref<128x64xf32, #tpu.memory_space<hbm>>) target_semaphore(%arg33 : memref<!tpu.dma_semaphore, #tpu.memory_space<semaphore_mem>>)
      %add3A_359 = arith.constant 8 : i32
      %add3A_360 = arith.addi %add3A_345, %add3A_359 : i32
      %lt3A_361 = arith.constant 50 : i32
      %lt3A_362 = arith.cmpi slt, %add3A_360, %lt3A_361 : i32
      %ge3A_363 = arith.constant 10 : i32
      %ge3A_364 = arith.cmpi sge, %add3A_360, %ge3A_363 : i32
      %and3A_365 = arith.andi %lt3A_362, %ge3A_364 : i1
      %convert_element_type3A_366 = arith.extui %and3A_365 : i1 to i32
      %cond3A_367 = arith.constant 0 : i32
      %cond3A_368 = arith.cmpi ne, %convert_element_type3A_366, %cond3A_367 : i32
      scf.if %cond3A_368 {
        %sub3A = arith.constant 10 : i32
        %sub3A_438 = arith.subi %add3A_360, %sub3A : i32
        %mul3A_439 = arith.constant 128 : i32
        %mul3A_440 = arith.muli %sub3A_438, %mul3A_439 : i32
        %add3A_441 = arith.addi %mul3A_2, %mul3A_440 : i32
        %dma_wait3A_442 = arith.constant 0 : i32
        %dma_wait3A_443 = tpu.memref_slice %arg4[%add3A_441, %dma_wait3A_442] : memref<204800x64xf32, #tpu.memory_space<hbm>> -> memref<128x64xf32, #tpu.memory_space<hbm>>
        %dma_wait3A_444 = arith.constant 0 : i32
        %dma_wait3A_445 = tpu.memref_slice %arg4[%add3A_441, %dma_wait3A_444] : memref<204800x64xf32, #tpu.memory_space<hbm>> -> memref<128x64xf32, #tpu.memory_space<hbm>>
        tpu.wait_dma2 semaphore(%arg31 : memref<!tpu.dma_semaphore, #tpu.memory_space<semaphore_mem>>) src(%arg11 : memref<128x64xf32, #tpu.memory_space<vmem>>) dst(%dma_wait3A_445 : memref<128x64xf32, #tpu.memory_space<hbm>>)
      } else {
      }
      %lt3A_369 = arith.constant 50 : i32
      %lt3A_370 = arith.cmpi slt, %add3A_360, %lt3A_369 : i32
      %convert_element_type3A_371 = arith.extui %lt3A_370 : i1 to i32
      %cond3A_372 = arith.constant 0 : i32
      %cond3A_373 = arith.cmpi ne, %convert_element_type3A_371, %cond3A_372 : i32
      scf.if %cond3A_373 {
        %dma_start3A_438 = arith.constant 0 : i32
        %dma_start3A_439 = tpu.memref_slice %arg5[%add3A_360, %dma_start3A_438] : memref<50x128xi32, #tpu.memory_space<vmem>> -> memref<1x128xi32, #tpu.memory_space<vmem>>
        %dma_start3A_440 = tpu.memref_squeeze %dma_start3A_439 : memref<1x128xi32, #tpu.memory_space<vmem>> -> memref<128xi32, #tpu.memory_space<vmem>>
        %dma_start3A_441 = arith.constant 0 : i32
        %dma_start3A_442 = arith.constant 0 : i32
        %dma_start3A_443 = tpu.memref_slice %arg3[%dma_start3A_441, %dma_start3A_442] : memref<100000x64xf32, #tpu.memory_space<hbm>> -> memref<100000x64xf32, #tpu.memory_space<hbm>>
        tpu.enqueue_indirect_dma source(%dma_start3A_443 : memref<100000x64xf32, #tpu.memory_space<hbm>>) target(%arg11 : memref<128x64xf32, #tpu.memory_space<vmem>>) offsets(%dma_start3A_440 : memref<128xi32, #tpu.memory_space<vmem>>) semaphore(%arg21 : memref<!tpu.dma_semaphore, #tpu.memory_space<semaphore_mem>>)
      } else {
      }
      %mul3A_374 = arith.constant 10 : i32
      %mul3A_375 = arith.muli %scan3A_122, %mul3A_374 : i32
      %add3A_376 = arith.constant 8 : i32
      %add3A_377 = arith.addi %mul3A_375, %add3A_376 : i32
      %dma_wait3A_378 = arith.constant 0 : i32
      %dma_wait3A_379 = tpu.memref_slice %arg5[%add3A_377, %dma_wait3A_378] : memref<50x128xi32, #tpu.memory_space<vmem>> -> memref<1x128xi32, #tpu.memory_space<vmem>>
      %dma_wait3A_380 = tpu.memref_squeeze %dma_wait3A_379 : memref<1x128xi32, #tpu.memory_space<vmem>> -> memref<128xi32, #tpu.memory_space<vmem>>
      %dma_wait3A_381 = arith.constant 0 : i32
      %dma_wait3A_382 = arith.constant 0 : i32
      %dma_wait3A_383 = tpu.memref_slice %arg3[%dma_wait3A_381, %dma_wait3A_382] : memref<100000x64xf32, #tpu.memory_space<hbm>> -> memref<100000x64xf32, #tpu.memory_space<hbm>>
      tpu.wait_indirect_dma semaphore(%arg24 : memref<!tpu.dma_semaphore, #tpu.memory_space<semaphore_mem>>) src(%dma_wait3A_383 : memref<100000x64xf32, #tpu.memory_space<hbm>>) dst(%arg14 : memref<128x64xf32, #tpu.memory_space<vmem>>)
      %mul3A_384 = arith.constant 128 : i32
      %mul3A_385 = arith.muli %add3A_377, %mul3A_384 : i32
      %add3A_386 = arith.addi %mul3A_2, %mul3A_385 : i32
      %dma_start3A_387 = arith.constant 0 : i32
      %dma_start3A_388 = tpu.memref_slice %arg4[%add3A_386, %dma_start3A_387] : memref<204800x64xf32, #tpu.memory_space<hbm>> -> memref<128x64xf32, #tpu.memory_space<hbm>>
      %dma_start3A_389 = arith.constant 0 : i32
      %dma_start3A_390 = tpu.memref_slice %arg4[%add3A_386, %dma_start3A_389] : memref<204800x64xf32, #tpu.memory_space<hbm>> -> memref<128x64xf32, #tpu.memory_space<hbm>>
      tpu.enqueue_dma source(%arg14 : memref<128x64xf32, #tpu.memory_space<vmem>>) target(%dma_start3A_390 : memref<128x64xf32, #tpu.memory_space<hbm>>) target_semaphore(%arg34 : memref<!tpu.dma_semaphore, #tpu.memory_space<semaphore_mem>>)
      %add3A_391 = arith.constant 8 : i32
      %add3A_392 = arith.addi %add3A_377, %add3A_391 : i32
      %lt3A_393 = arith.constant 50 : i32
      %lt3A_394 = arith.cmpi slt, %add3A_392, %lt3A_393 : i32
      %ge3A_395 = arith.constant 10 : i32
      %ge3A_396 = arith.cmpi sge, %add3A_392, %ge3A_395 : i32
      %and3A_397 = arith.andi %lt3A_394, %ge3A_396 : i1
      %convert_element_type3A_398 = arith.extui %and3A_397 : i1 to i32
      %cond3A_399 = arith.constant 0 : i32
      %cond3A_400 = arith.cmpi ne, %convert_element_type3A_398, %cond3A_399 : i32
      scf.if %cond3A_400 {
        %sub3A = arith.constant 10 : i32
        %sub3A_438 = arith.subi %add3A_392, %sub3A : i32
        %mul3A_439 = arith.constant 128 : i32
        %mul3A_440 = arith.muli %sub3A_438, %mul3A_439 : i32
        %add3A_441 = arith.addi %mul3A_2, %mul3A_440 : i32
        %dma_wait3A_442 = arith.constant 0 : i32
        %dma_wait3A_443 = tpu.memref_slice %arg4[%add3A_441, %dma_wait3A_442] : memref<204800x64xf32, #tpu.memory_space<hbm>> -> memref<128x64xf32, #tpu.memory_space<hbm>>
        %dma_wait3A_444 = arith.constant 0 : i32
        %dma_wait3A_445 = tpu.memref_slice %arg4[%add3A_441, %dma_wait3A_444] : memref<204800x64xf32, #tpu.memory_space<hbm>> -> memref<128x64xf32, #tpu.memory_space<hbm>>
        tpu.wait_dma2 semaphore(%arg32 : memref<!tpu.dma_semaphore, #tpu.memory_space<semaphore_mem>>) src(%arg12 : memref<128x64xf32, #tpu.memory_space<vmem>>) dst(%dma_wait3A_445 : memref<128x64xf32, #tpu.memory_space<hbm>>)
      } else {
      }
      %lt3A_401 = arith.constant 50 : i32
      %lt3A_402 = arith.cmpi slt, %add3A_392, %lt3A_401 : i32
      %convert_element_type3A_403 = arith.extui %lt3A_402 : i1 to i32
      %cond3A_404 = arith.constant 0 : i32
      %cond3A_405 = arith.cmpi ne, %convert_element_type3A_403, %cond3A_404 : i32
      scf.if %cond3A_405 {
        %dma_start3A_438 = arith.constant 0 : i32
        %dma_start3A_439 = tpu.memref_slice %arg5[%add3A_392, %dma_start3A_438] : memref<50x128xi32, #tpu.memory_space<vmem>> -> memref<1x128xi32, #tpu.memory_space<vmem>>
        %dma_start3A_440 = tpu.memref_squeeze %dma_start3A_439 : memref<1x128xi32, #tpu.memory_space<vmem>> -> memref<128xi32, #tpu.memory_space<vmem>>
        %dma_start3A_441 = arith.constant 0 : i32
        %dma_start3A_442 = arith.constant 0 : i32
        %dma_start3A_443 = tpu.memref_slice %arg3[%dma_start3A_441, %dma_start3A_442] : memref<100000x64xf32, #tpu.memory_space<hbm>> -> memref<100000x64xf32, #tpu.memory_space<hbm>>
        tpu.enqueue_indirect_dma source(%dma_start3A_443 : memref<100000x64xf32, #tpu.memory_space<hbm>>) target(%arg12 : memref<128x64xf32, #tpu.memory_space<vmem>>) offsets(%dma_start3A_440 : memref<128xi32, #tpu.memory_space<vmem>>) semaphore(%arg22 : memref<!tpu.dma_semaphore, #tpu.memory_space<semaphore_mem>>)
      } else {
      }
      %mul3A_406 = arith.constant 10 : i32
      %mul3A_407 = arith.muli %scan3A_122, %mul3A_406 : i32
      %add3A_408 = arith.constant 9 : i32
      %add3A_409 = arith.addi %mul3A_407, %add3A_408 : i32
      %dma_wait3A_410 = arith.constant 0 : i32
      %dma_wait3A_411 = tpu.memref_slice %arg5[%add3A_409, %dma_wait3A_410] : memref<50x128xi32, #tpu.memory_space<vmem>> -> memref<1x128xi32, #tpu.memory_space<vmem>>
      %dma_wait3A_412 = tpu.memref_squeeze %dma_wait3A_411 : memref<1x128xi32, #tpu.memory_space<vmem>> -> memref<128xi32, #tpu.memory_space<vmem>>
      %dma_wait3A_413 = arith.constant 0 : i32
      %dma_wait3A_414 = arith.constant 0 : i32
      %dma_wait3A_415 = tpu.memref_slice %arg3[%dma_wait3A_413, %dma_wait3A_414] : memref<100000x64xf32, #tpu.memory_space<hbm>> -> memref<100000x64xf32, #tpu.memory_space<hbm>>
      tpu.wait_indirect_dma semaphore(%arg25 : memref<!tpu.dma_semaphore, #tpu.memory_space<semaphore_mem>>) src(%dma_wait3A_415 : memref<100000x64xf32, #tpu.memory_space<hbm>>) dst(%arg15 : memref<128x64xf32, #tpu.memory_space<vmem>>)
      %mul3A_416 = arith.constant 128 : i32
      %mul3A_417 = arith.muli %add3A_409, %mul3A_416 : i32
      %add3A_418 = arith.addi %mul3A_2, %mul3A_417 : i32
      %dma_start3A_419 = arith.constant 0 : i32
      %dma_start3A_420 = tpu.memref_slice %arg4[%add3A_418, %dma_start3A_419] : memref<204800x64xf32, #tpu.memory_space<hbm>> -> memref<128x64xf32, #tpu.memory_space<hbm>>
      %dma_start3A_421 = arith.constant 0 : i32
      %dma_start3A_422 = tpu.memref_slice %arg4[%add3A_418, %dma_start3A_421] : memref<204800x64xf32, #tpu.memory_space<hbm>> -> memref<128x64xf32, #tpu.memory_space<hbm>>
      tpu.enqueue_dma source(%arg15 : memref<128x64xf32, #tpu.memory_space<vmem>>) target(%dma_start3A_422 : memref<128x64xf32, #tpu.memory_space<hbm>>) target_semaphore(%arg35 : memref<!tpu.dma_semaphore, #tpu.memory_space<semaphore_mem>>)
      %add3A_423 = arith.constant 8 : i32
      %add3A_424 = arith.addi %add3A_409, %add3A_423 : i32
      %lt3A_425 = arith.constant 50 : i32
      %lt3A_426 = arith.cmpi slt, %add3A_424, %lt3A_425 : i32
      %ge3A_427 = arith.constant 10 : i32
      %ge3A_428 = arith.cmpi sge, %add3A_424, %ge3A_427 : i32
      %and3A_429 = arith.andi %lt3A_426, %ge3A_428 : i1
      %convert_element_type3A_430 = arith.extui %and3A_429 : i1 to i32
      %cond3A_431 = arith.constant 0 : i32
      %cond3A_432 = arith.cmpi ne, %convert_element_type3A_430, %cond3A_431 : i32
      scf.if %cond3A_432 {
        %sub3A = arith.constant 10 : i32
        %sub3A_438 = arith.subi %add3A_424, %sub3A : i32
        %mul3A_439 = arith.constant 128 : i32
        %mul3A_440 = arith.muli %sub3A_438, %mul3A_439 : i32
        %add3A_441 = arith.addi %mul3A_2, %mul3A_440 : i32
        %dma_wait3A_442 = arith.constant 0 : i32
        %dma_wait3A_443 = tpu.memref_slice %arg4[%add3A_441, %dma_wait3A_442] : memref<204800x64xf32, #tpu.memory_space<hbm>> -> memref<128x64xf32, #tpu.memory_space<hbm>>
        %dma_wait3A_444 = arith.constant 0 : i32
        %dma_wait3A_445 = tpu.memref_slice %arg4[%add3A_441, %dma_wait3A_444] : memref<204800x64xf32, #tpu.memory_space<hbm>> -> memref<128x64xf32, #tpu.memory_space<hbm>>
        tpu.wait_dma2 semaphore(%arg33 : memref<!tpu.dma_semaphore, #tpu.memory_space<semaphore_mem>>) src(%arg13 : memref<128x64xf32, #tpu.memory_space<vmem>>) dst(%dma_wait3A_445 : memref<128x64xf32, #tpu.memory_space<hbm>>)
      } else {
      }
      %lt3A_433 = arith.constant 50 : i32
      %lt3A_434 = arith.cmpi slt, %add3A_424, %lt3A_433 : i32
      %convert_element_type3A_435 = arith.extui %lt3A_434 : i1 to i32
      %cond3A_436 = arith.constant 0 : i32
      %cond3A_437 = arith.cmpi ne, %convert_element_type3A_435, %cond3A_436 : i32
      scf.if %cond3A_437 {
        %dma_start3A_438 = arith.constant 0 : i32
        %dma_start3A_439 = tpu.memref_slice %arg5[%add3A_424, %dma_start3A_438] : memref<50x128xi32, #tpu.memory_space<vmem>> -> memref<1x128xi32, #tpu.memory_space<vmem>>
        %dma_start3A_440 = tpu.memref_squeeze %dma_start3A_439 : memref<1x128xi32, #tpu.memory_space<vmem>> -> memref<128xi32, #tpu.memory_space<vmem>>
        %dma_start3A_441 = arith.constant 0 : i32
        %dma_start3A_442 = arith.constant 0 : i32
        %dma_start3A_443 = tpu.memref_slice %arg3[%dma_start3A_441, %dma_start3A_442] : memref<100000x64xf32, #tpu.memory_space<hbm>> -> memref<100000x64xf32, #tpu.memory_space<hbm>>
        tpu.enqueue_indirect_dma source(%dma_start3A_443 : memref<100000x64xf32, #tpu.memory_space<hbm>>) target(%arg13 : memref<128x64xf32, #tpu.memory_space<vmem>>) offsets(%dma_start3A_440 : memref<128xi32, #tpu.memory_space<vmem>>) semaphore(%arg23 : memref<!tpu.dma_semaphore, #tpu.memory_space<semaphore_mem>>)
      } else {
      }
    }
    %scan3A_62 = arith.constant 5 : i32
    %add3A_63 = arith.constant 5120 : i32
    %add3A_64 = arith.addi %mul3A_2, %add3A_63 : i32
    %dma_wait3A = arith.constant 0 : i32
    %dma_wait3A_65 = tpu.memref_slice %arg4[%add3A_64, %dma_wait3A] : memref<204800x64xf32, #tpu.memory_space<hbm>> -> memref<128x64xf32, #tpu.memory_space<hbm>>
    %dma_wait3A_66 = arith.constant 0 : i32
    %dma_wait3A_67 = tpu.memref_slice %arg4[%add3A_64, %dma_wait3A_66] : memref<204800x64xf32, #tpu.memory_space<hbm>> -> memref<128x64xf32, #tpu.memory_space<hbm>>
    tpu.wait_dma2 semaphore(%arg26 : memref<!tpu.dma_semaphore, #tpu.memory_space<semaphore_mem>>) src(%arg6 : memref<128x64xf32, #tpu.memory_space<vmem>>) dst(%dma_wait3A_67 : memref<128x64xf32, #tpu.memory_space<hbm>>)
    %add3A_68 = arith.constant 5248 : i32
    %add3A_69 = arith.addi %mul3A_2, %add3A_68 : i32
    %dma_wait3A_70 = arith.constant 0 : i32
    %dma_wait3A_71 = tpu.memref_slice %arg4[%add3A_69, %dma_wait3A_70] : memref<204800x64xf32, #tpu.memory_space<hbm>> -> memref<128x64xf32, #tpu.memory_space<hbm>>
    %dma_wait3A_72 = arith.constant 0 : i32
    %dma_wait3A_73 = tpu.memref_slice %arg4[%add3A_69, %dma_wait3A_72] : memref<204800x64xf32, #tpu.memory_space<hbm>> -> memref<128x64xf32, #tpu.memory_space<hbm>>
    tpu.wait_dma2 semaphore(%arg27 : memref<!tpu.dma_semaphore, #tpu.memory_space<semaphore_mem>>) src(%arg7 : memref<128x64xf32, #tpu.memory_space<vmem>>) dst(%dma_wait3A_73 : memref<128x64xf32, #tpu.memory_space<hbm>>)
    %add3A_74 = arith.constant 5376 : i32
    %add3A_75 = arith.addi %mul3A_2, %add3A_74 : i32
    %dma_wait3A_76 = arith.constant 0 : i32
    %dma_wait3A_77 = tpu.memref_slice %arg4[%add3A_75, %dma_wait3A_76] : memref<204800x64xf32, #tpu.memory_space<hbm>> -> memref<128x64xf32, #tpu.memory_space<hbm>>
    %dma_wait3A_78 = arith.constant 0 : i32
    %dma_wait3A_79 = tpu.memref_slice %arg4[%add3A_75, %dma_wait3A_78] : memref<204800x64xf32, #tpu.memory_space<hbm>> -> memref<128x64xf32, #tpu.memory_space<hbm>>
    tpu.wait_dma2 semaphore(%arg28 : memref<!tpu.dma_semaphore, #tpu.memory_space<semaphore_mem>>) src(%arg8 : memref<128x64xf32, #tpu.memory_space<vmem>>) dst(%dma_wait3A_79 : memref<128x64xf32, #tpu.memory_space<hbm>>)
    %add3A_80 = arith.constant 5504 : i32
    %add3A_81 = arith.addi %mul3A_2, %add3A_80 : i32
    %dma_wait3A_82 = arith.constant 0 : i32
    %dma_wait3A_83 = tpu.memref_slice %arg4[%add3A_81, %dma_wait3A_82] : memref<204800x64xf32, #tpu.memory_space<hbm>> -> memref<128x64xf32, #tpu.memory_space<hbm>>
    %dma_wait3A_84 = arith.constant 0 : i32
    %dma_wait3A_85 = tpu.memref_slice %arg4[%add3A_81, %dma_wait3A_84] : memref<204800x64xf32, #tpu.memory_space<hbm>> -> memref<128x64xf32, #tpu.memory_space<hbm>>
    tpu.wait_dma2 semaphore(%arg29 : memref<!tpu.dma_semaphore, #tpu.memory_space<semaphore_mem>>) src(%arg9 : memref<128x64xf32, #tpu.memory_space<vmem>>) dst(%dma_wait3A_85 : memref<128x64xf32, #tpu.memory_space<hbm>>)
    %add3A_86 = arith.constant 5632 : i32
    %add3A_87 = arith.addi %mul3A_2, %add3A_86 : i32
    %dma_wait3A_88 = arith.constant 0 : i32
    %dma_wait3A_89 = tpu.memref_slice %arg4[%add3A_87, %dma_wait3A_88] : memref<204800x64xf32, #tpu.memory_space<hbm>> -> memref<128x64xf32, #tpu.memory_space<hbm>>
    %dma_wait3A_90 = arith.constant 0 : i32
    %dma_wait3A_91 = tpu.memref_slice %arg4[%add3A_87, %dma_wait3A_90] : memref<204800x64xf32, #tpu.memory_space<hbm>> -> memref<128x64xf32, #tpu.memory_space<hbm>>
    tpu.wait_dma2 semaphore(%arg30 : memref<!tpu.dma_semaphore, #tpu.memory_space<semaphore_mem>>) src(%arg10 : memref<128x64xf32, #tpu.memory_space<vmem>>) dst(%dma_wait3A_91 : memref<128x64xf32, #tpu.memory_space<hbm>>)
    %add3A_92 = arith.constant 5760 : i32
    %add3A_93 = arith.addi %mul3A_2, %add3A_92 : i32
    %dma_wait3A_94 = arith.constant 0 : i32
    %dma_wait3A_95 = tpu.memref_slice %arg4[%add3A_93, %dma_wait3A_94] : memref<204800x64xf32, #tpu.memory_space<hbm>> -> memref<128x64xf32, #tpu.memory_space<hbm>>
    %dma_wait3A_96 = arith.constant 0 : i32
    %dma_wait3A_97 = tpu.memref_slice %arg4[%add3A_93, %dma_wait3A_96] : memref<204800x64xf32, #tpu.memory_space<hbm>> -> memref<128x64xf32, #tpu.memory_space<hbm>>
    tpu.wait_dma2 semaphore(%arg31 : memref<!tpu.dma_semaphore, #tpu.memory_space<semaphore_mem>>) src(%arg11 : memref<128x64xf32, #tpu.memory_space<vmem>>) dst(%dma_wait3A_97 : memref<128x64xf32, #tpu.memory_space<hbm>>)
    %add3A_98 = arith.constant 5888 : i32
    %add3A_99 = arith.addi %mul3A_2, %add3A_98 : i32
    %dma_wait3A_100 = arith.constant 0 : i32
    %dma_wait3A_101 = tpu.memref_slice %arg4[%add3A_99, %dma_wait3A_100] : memref<204800x64xf32, #tpu.memory_space<hbm>> -> memref<128x64xf32, #tpu.memory_space<hbm>>
    %dma_wait3A_102 = arith.constant 0 : i32
    %dma_wait3A_103 = tpu.memref_slice %arg4[%add3A_99, %dma_wait3A_102] : memref<204800x64xf32, #tpu.memory_space<hbm>> -> memref<128x64xf32, #tpu.memory_space<hbm>>
    tpu.wait_dma2 semaphore(%arg32 : memref<!tpu.dma_semaphore, #tpu.memory_space<semaphore_mem>>) src(%arg12 : memref<128x64xf32, #tpu.memory_space<vmem>>) dst(%dma_wait3A_103 : memref<128x64xf32, #tpu.memory_space<hbm>>)
    %add3A_104 = arith.constant 6016 : i32
    %add3A_105 = arith.addi %mul3A_2, %add3A_104 : i32
    %dma_wait3A_106 = arith.constant 0 : i32
    %dma_wait3A_107 = tpu.memref_slice %arg4[%add3A_105, %dma_wait3A_106] : memref<204800x64xf32, #tpu.memory_space<hbm>> -> memref<128x64xf32, #tpu.memory_space<hbm>>
    %dma_wait3A_108 = arith.constant 0 : i32
    %dma_wait3A_109 = tpu.memref_slice %arg4[%add3A_105, %dma_wait3A_108] : memref<204800x64xf32, #tpu.memory_space<hbm>> -> memref<128x64xf32, #tpu.memory_space<hbm>>
    tpu.wait_dma2 semaphore(%arg33 : memref<!tpu.dma_semaphore, #tpu.memory_space<semaphore_mem>>) src(%arg13 : memref<128x64xf32, #tpu.memory_space<vmem>>) dst(%dma_wait3A_109 : memref<128x64xf32, #tpu.memory_space<hbm>>)
    %add3A_110 = arith.constant 6144 : i32
    %add3A_111 = arith.addi %mul3A_2, %add3A_110 : i32
    %dma_wait3A_112 = arith.constant 0 : i32
    %dma_wait3A_113 = tpu.memref_slice %arg4[%add3A_111, %dma_wait3A_112] : memref<204800x64xf32, #tpu.memory_space<hbm>> -> memref<128x64xf32, #tpu.memory_space<hbm>>
    %dma_wait3A_114 = arith.constant 0 : i32
    %dma_wait3A_115 = tpu.memref_slice %arg4[%add3A_111, %dma_wait3A_114] : memref<204800x64xf32, #tpu.memory_space<hbm>> -> memref<128x64xf32, #tpu.memory_space<hbm>>
    tpu.wait_dma2 semaphore(%arg34 : memref<!tpu.dma_semaphore, #tpu.memory_space<semaphore_mem>>) src(%arg14 : memref<128x64xf32, #tpu.memory_space<vmem>>) dst(%dma_wait3A_115 : memref<128x64xf32, #tpu.memory_space<hbm>>)
    %add3A_116 = arith.constant 6272 : i32
    %add3A_117 = arith.addi %mul3A_2, %add3A_116 : i32
    %dma_wait3A_118 = arith.constant 0 : i32
    %dma_wait3A_119 = tpu.memref_slice %arg4[%add3A_117, %dma_wait3A_118] : memref<204800x64xf32, #tpu.memory_space<hbm>> -> memref<128x64xf32, #tpu.memory_space<hbm>>
    %dma_wait3A_120 = arith.constant 0 : i32
    %dma_wait3A_121 = tpu.memref_slice %arg4[%add3A_117, %dma_wait3A_120] : memref<204800x64xf32, #tpu.memory_space<hbm>> -> memref<128x64xf32, #tpu.memory_space<hbm>>
    tpu.wait_dma2 semaphore(%arg35 : memref<!tpu.dma_semaphore, #tpu.memory_space<semaphore_mem>>) src(%arg15 : memref<128x64xf32, #tpu.memory_space<vmem>>) dst(%dma_wait3A_121 : memref<128x64xf32, #tpu.memory_space<hbm>>)
    return
  }
}

</mosaic_0001>

<sc_bundles>
// kernel: _impl.3.cloned.1.call-start
scs
__scs_entry_jumppad:
0x0: {  	(pc) =	sbr.rel $0x88, $3  }
0x1: {  	(tag) =	ssettag $0x0;
	lr =	simm.s32 $0x1  }
0x2: {  	[smem:$0x3F9F] =	sst lr;
	_ =	strace $0xD0000000  }
0x3: {  	_ = 	snop  }
0x4: {  	_ = 	snop  }
0x5: {  	_ = 	snop  }
0x6: {  	_ = 	snop  }
0x7: {  	_ = 	snop  }
__scs_overlays_trampoline_lowered:
0x8: {  	[smem:$0x3FAE] =	sst s0  }
0x9: {  	[smem:$0x3FAF] =	sst s1  }
0xa: {  	[smem:$0x3FB0] =	sst s2  }
0xb: {  	[smem:$0x3FB1] =	sst s3  }
0xc: {  	[smem:$0x3FB2] =	sst s4  }
0xd: {  	[smem:$0x3FB3] =	sst s5  }
0xe: {  	[smem:$0x3FB4] =	sst s6  }
0xf: {  	[smem:$0x3FB5] =	sst s7  }
0x10: {  	[smem:$0x3FB6] =	sst s8  }
0x11: {  	[smem:$0x3FB7] =	sst s9;
	s0 =	simm.s32 @!p0 $0x0  }
0x12: {  	s1 =	sld [smem:$0x3F9D];
	s0 =	simm.s32 @p0 $0x1  }
0x13: {  	[smem:$0x3FB8] =	sst s0;
	s0 =	simm.s32 @!p1 $0x0  }
0x14: {  	s2 =	sld [smem:$0x3F9C];
	s0 =	simm.s32 @p1 $0x1  }
0x15: {  	[smem:$0x3FB9] =	sst s0;
	s0 =	simm.s32 @!p2 $0x0  }
0x16: {  	s3 =	sld [smem:$0x3FDB];
	s0 =	simm.s32 @p2 $0x1  }
0x17: {  	s4 =	simm.s32 $0x1BF5;
	[smem:$0x3FBB] =	sst s0  }
0x18: {  	s0 =	sld [smem:$0x3F9E];
	_ =	swait.ge [sflag:s4], $0x0  }
0x19: {  	s7 =	sld [smem:$0x3F9F]  }
0x1a: {  	s8 =	sadd.s32 $0xFFFFE003, lr  }
0x1b: {  	s9 =	sadd.s32 $0xFFFFFEF7, lr;
	s5 =	simm.s32 $0xFFFFFFFF;
	p2 =	slt.u32 s8, $0xFFFFF086  }
0x1c: {  	p1 =	slt.u32 s9, $0xF7A;
	s5 =	simm.s32 @!p2 $0x0  }
0x1d: {  	s5 =	simm.s32 @p1 $0x1;
	p0 =	seq.s32 s7, s2  }
0x1e: {  	s7 =	smul.u32 @!p0 $0xF7A, s2;
	p2 =	seq.s32 @!p0 s5, $0x0  }
0x1f: {  	s9 =	smul.u32 $0xF7A, s1;
	s8 =	simm.s32 @!p0 $0x1BF5;
	p2 =	por !p2, p0  }
0x20: {  	[sflag:s8] =	ssyncset.s32 @!p0 $0xFFFFF086;
	s6 =	sadd.s32 @!p0 s3, s7;
	s7 =	simm.s32 @!p0 $0x108  }
0x21: {  	s3 =	sadd.s32 s3, s9;
	s6 =	sadd.s32 @!p0 $0x88, s6;
	s7 =	simm.s32 @p2 $0x1082  }
0x22: {  	[simem:s7], [sflag:s8] =	dma.local @!p0 [hbm:s6], $0xF7A  }
0x23: {  	s9 =	sor.u32 $0xD0000000, s2;
	s6 =	simm.s32 $0x108;
	_ =	swait.ge @!p0 [sflag:s8], $0x0  }
0x24: {  	s3 =	sadd.s32 $0x88, s3;
	s6 =	simm.s32 @!p1 $0x1082;
	[sflag:s4] =	ssyncset.s32 $0xFFFFF086  }
0x25: {  	[simem:s6], [sflag:s4] =	dma.local [hbm:s3], $0xF7A  }
0x26: {  	[smem:$0x3F9F] =	sst s1;
	(tag) =	ssettag s2;
	_ =	strace s9  }
0x27: {  	s1 =	sld [smem:$0x3FAF]  }
0x28: {  	s2 =	sld [smem:$0x3FB0]  }
0x29: {  	s4 =	sld [smem:$0x3FB2]  }
0x2a: {  	p0 =	seq.s32 s5, $0x0;
	s5 =	sld [smem:$0x3FB3]  }
0x2b: {  	s6 =	sld [smem:$0x3FB4]  }
0x2c: {  	s7 =	sld [smem:$0x3FB5]  }
0x2d: {  	s3 =	simm.s32 $0x108;
	s8 =	sld [smem:$0x3FB6]  }
0x2e: {  	s3 =	simm.s32 @!p0 $0x1082;
	s9 =	sld [smem:$0x3FB7]  }
0x2f: {  	lr =	sadd.s32 s0, s3;
	s0 =	sld [smem:$0x3FAE]  }
0x30: {  	s3 =	sld [smem:$0x3FB1]  }
0x31: {  	[smem:$0x3FBA] =	sst s10  }
0x32: {  	s10 =	sld [smem:$0x3FB8];
	_ =	sdelay $0x3  }
0x33: {  	p0 =	seq.s32 s10, $0x1;
	s10 =	sld [smem:$0x3FBA];
	_ =	sdelay $0x3  }
0x34: {  	[smem:$0x3FBA] =	sst s10  }
0x35: {  	s10 =	sld [smem:$0x3FB9];
	_ =	sdelay $0x3  }
0x36: {  	p1 =	seq.s32 s10, $0x1;
	s10 =	sld [smem:$0x3FBA];
	_ =	sdelay $0x3  }
0x37: {  	[smem:$0x3FBA] =	sst s10  }
0x38: {  	s10 =	sld [smem:$0x3FBB]  }
0x39: {  	_ = 	snop;
	(pc) =	sbr.ind lr, $3  }
0x3a: {  	_ = 	snop  }
0x3b: {  	_ = 	snop  }
0x3c: {  	p2 =	seq.s32 s10, $0x1;
	s10 =	sld [smem:$0x3FBA]  }
0x3d: {  	_ =	shalt  }
0x3e: {  	_ =	shalt  }
0x3f: {  	_ =	shalt  }
0x40: {  	_ =	shalt  }
0x41: {  	_ =	shalt  }
0x42: {  	_ =	shalt  }
0x43: {  	_ =	shalt  }
0x44: {  	_ =	shalt  }
0x45: {  	_ =	shalt  }
0x46: {  	_ =	shalt  }
0x47: {  	_ =	shalt  }
0x48: {  	_ =	shalt  }
0x49: {  	_ =	shalt  }
0x4a: {  	_ =	shalt  }
0x4b: {  	_ =	shalt  }
0x4c: {  	_ =	shalt  }
0x4d: {  	_ =	shalt  }
0x4e: {  	_ =	shalt  }
0x4f: {  	_ =	shalt  }
0x50: {  	_ =	shalt  }
0x51: {  	_ =	shalt  }
0x52: {  	_ =	shalt  }
0x53: {  	_ =	shalt  }
0x54: {  	_ =	shalt  }
0x55: {  	_ =	shalt  }
0x56: {  	_ =	shalt  }
0x57: {  	_ =	shalt  }
0x58: {  	_ =	shalt  }
0x59: {  	_ =	shalt  }
0x5a: {  	_ =	shalt  }
0x5b: {  	_ =	shalt  }
0x5c: {  	_ =	shalt  }
0x5d: {  	_ =	shalt  }
0x5e: {  	_ =	shalt  }
0x5f: {  	_ =	shalt  }
0x60: {  	_ =	shalt  }
0x61: {  	_ =	shalt  }
0x62: {  	_ =	shalt  }
0x63: {  	_ =	shalt  }
0x64: {  	_ =	shalt  }
0x65: {  	_ =	shalt  }
0x66: {  	_ =	shalt  }
0x67: {  	_ =	shalt  }
0x68: {  	_ =	shalt  }
0x69: {  	_ =	shalt  }
0x6a: {  	_ =	shalt  }
0x6b: {  	_ =	shalt  }
0x6c: {  	_ =	shalt  }
0x6d: {  	_ =	shalt  }
0x6e: {  	_ =	shalt  }
0x6f: {  	_ =	shalt  }
0x70: {  	_ =	shalt  }
0x71: {  	_ =	shalt  }
0x72: {  	_ =	shalt  }
0x73: {  	_ =	shalt  }
0x74: {  	_ =	shalt  }
0x75: {  	_ =	shalt  }
0x76: {  	_ =	shalt  }
0x77: {  	_ =	shalt  }
0x78: {  	_ =	shalt  }
0x79: {  	_ =	shalt  }
0x7a: {  	_ =	shalt  }
0x7b: {  	_ =	shalt  }
0x7c: {  	_ =	shalt  }
0x7d: {  	_ =	shalt  }
0x7e: {  	_ =	shalt  }
0x7f: {  	_ =	shalt  }
0x80: {  	_ =	shalt  }
0x81: {  	_ =	shalt  }
0x82: {  	_ =	shalt  }
0x83: {  	_ =	shalt  }
0x84: {  	_ =	shalt  }
0x85: {  	_ =	shalt  }
0x86: {  	_ =	shalt  }
0x87: {  	_ =	shalt  }
.Lfunc_end0:
.L_simem_size_0:
called_computation.1_lowered:
.L_overlay_start_0:
0x88: {  	s2 =	sld [smem:$0x3FD9]  }
0x89: {  	s3 =	sld [smem:$0x3FFE];
	_ =	sdelay $0x1  }
0x8a: {  	s1 =	srdreg.scid  }
0x8b: {  	s0 =	sand.u32 $0x1, s1  }
0x8c: {  	s17 =	sshll.u32 s0, $0xA;
	s2 =	sadd.s32 s3, s2  }
0x8d: {  	s2 =	sadd.s32 s2, s17  }
0x8e: {  	[smem:$0x3FC6] =	sst s2  }
0x8f: {  	_ = 	snop  }
0x90: {  	s2 =	sld [smem:$0x3FD0];
	(tm) =	ssettm $0x1  }
0x91: {  	s18 =	sld [smem:$0x3FFB];
	_ =	sdelay $0x3  }
0x92: {  	_ =	strace s18  }
0x93: {  	s3 =	sld [smem:$0x3FFC];
	_ =	sdelay $0x3  }
0x94: {  	_ =	strace s3  }
0x95: {  	s3 =	sld [smem:$0x3FFD];
	_ =	sdelay $0x3  }
0x96: {  	_ =	strace s3  }
0x97: {  	_ =	strace $0x8FFFFFFF  }
0x98: {  	s19 =	sld [smem:$0x3FDB];
	_ =	sdelay $0x1  }
0x99: {  	s4 =	simm.s32 $_scs_section_size  }
0x9a: {  	s5 =	simm.s32 $_size__tile_overlayer_lowered;
	s6 =	simm.s32 $_tile_overlayer_lowered  }
0x9b: {  	s22 =	simm.s32 $0x1BFF;
	s21 =	sshll.u32 s6, $0x1;
	s3 =	sadd.s32 s4, s19  }
0x9c: {  	s7 =	simm.s32 $0x0;
	s20 =	sshll.u32 s5, $0x1;
	s5 =	sadd.s32 s21, s3  }
0x9d: {  	[timem:s7], [sflag:s22] =	dma.local [hbm:s5], s20  }
0x9e: {  	_ =	swait.ge [sflag:s22], s20  }
0x9f: {  	s4 =	ssub.s32 $0x0, s20;
	[sflag:s22] =	ssyncset.done $0x0  }
0xa0: {  	[sflag:s22] =	ssyncadd.s32 s4;
	_ =	sdelay $0x1  }
0xa1: {  	s23 =	simm.s32 $0x1B8B  }
0xa2: {  	_ =	swait.ge [sflag:s23], $0x1  }
0xa3: {  	[sflag:s23] =	ssyncset.done $0x0  }
0xa4: {  	s25 =	simm.s32 $0x1B8E;
	s24 =	sld [smem:$0x3FFE];
	[sflag:s23] =	ssyncadd.s32 $0xFFFFFFFF  }
0xa5: {  	s26 =	simm.s32 $execute0_lowered;
	[smem:$0x3FD2] =	sst s25  }
0xa6: {  	s5 =	sshll.u32 s26, $0x1;
	_ =	strace $0x80000046;
	[dreg:$0x1] =	wrdreg $0xFFFFFFFF  }
0xa7: {  	s28 =	simm.s32 $_size_execute0_lowered;
	s3 =	sadd.s32 s3, s5;
	[dreg:$0x0] =	wrdreg $0x0  }
0xa8: {  	s5 =	sshll.u32 s28, $0x1;
	[dreg:$0x2] =	wrdreg s3  }
0xa9: {  	[dreg:$0x3] =	wrdreg s5  }
0xaa: {  	[dreg:$0x4] =	wrdreg $0xC0  }
0xab: {  	_ =	task [dreg:s7], $0x5FFFF  }
0xac: {  	[dreg:$0x1] =	wrdreg $0xFFFFFFFF  }
0xad: {  	[dreg:$0x0] =	wrdreg $0x60  }
0xae: {  	[dreg:$0x2] =	wrdreg s24  }
0xaf: {  	[dreg:$0x3] =	wrdreg s2  }
0xb0: {  	[dreg:$0x4] =	wrdreg $0x9  }
0xb1: {  	_ =	task.clear_ibuf [dreg:s7], $0x5FFFF;
	_ =	strace $0x90000046  }
0xb2: {  	s29 =	simm.s32 $0x9;
	_ =	strace $0x80000048  }
0xb3: {  	_ =	swait.ge [sflag:s29], $0x1  }
0xb4: {  	[sflag:s29] =	ssyncadd.s32 $0xFFFFFFFF  }
0xb5: {  	_ =	strace $0x90000048  }
0xb6: {  	_ =	sfence  }
0xb7: {  	s30 =	sld [smem:$0x0];
	_ =	sdelay $0x2  }
0xb8: {  	s31 =	sshll.u32 s1, $0xD;
	s1 =	sshrl.u32 s1, $0x2  }
0xb9: {  	s3 =	sand.u32 $0x4000, s31;
	s1 =	sadd.s32 s1, s30  }
0xba: {  	s0 =	sor.u32 s3, s0;
	s1 =	sshll.u32 s1, $0x11  }
0xbb: {  	s0 =	sor.u32 s1, s0  }
0xbc: {  	s0 =	sadd.s32 $0x8F2B, s0  }
0xbd: {  	[sflag:s0] =	ssyncadd.remote.s32 $0x1  }
0xbe: {  	_ =	sfence.sel $0xFFFF  }
0xbf: {  	[dreg:$0x0] =	wrdreg $0xFFFFFFFF;
	(pc) =	sbr.abs _section_cstart, $3  }
0xc0: {  	[dreg:$0x1] =	wrdreg $0xFFFFFFFF  }
0xc1: {  	_ =	task.clear_ibuf [dreg:s7], $0x2FFFF;
	_ =	strace $0x9FFFFFFF  }
0xc2: {  	(tm) =	ssettm $0x7FFFFFFF  }
0xc3: {  	_ =	shalt  }
tec
execute0_lowered:
.L_overlay_start_1:
0x0: {  	(tag) =	ssettag $0x1  }
0x1: {  	s0 =	srdreg.scid;
	s8 =	stileid.u32  }
0x2: {  	s2 =	rddreg [dreg:$0x0];
	s3 =	simm.s32 $0x0;
	s5 =	smul.u32 $0x3200, s8  }
0x3: {  	s18 =	simm.s32 $0x80;
	s28 =	simm.s32 $0x3;
	s23 =	smul.u32 $0xC8000, s8  }
0x4: {  	s30 =	simm.s32 $0x4;
	s0 =	sand.u32 $0x1, s0;
	s29 =	smul.u32 $0x19000, s8  }
0x5: {  	s17 =	simm.s32 $0x8;
	s19 =	simm.s32 $0x9;
	s6 =	smul.u32 $0x1900, s0  }
0x6: {  	s9 =	simm.s32 $0x0;
	s1 =	sshll.u32 s8, $0x1;
	s25 =	smul.u32 $0x64000, s0  }
0x7: {  	s1 =	sor.u32 s0, s1;
	s7 =	ssub.s32 $0x2, s0;
	s0 =	smul.u32 $0xC800, s0  }
0x8: {  	[smem:$0x7FF] =	sst s3;
	s4 =	sadd.s32 $0x6C00, s2;
	s1 =	smul.u32 $0x1900, s1  }
0x9: {  	_ =	strace $0x80000047;
	s20 =	sshrl.u32 s7, $0x1;
	s5 =	sadd.s32 s6, s5  }
0xa: {  	s14 =	sadd.s32 s0, s29;
	s0 =	simm.s32 $0xF900;
	s1 =	sshrl.u32 s1, $0x3  }
0xb: {  	s6 =	simm.s32 $0x7;
	s21 =	sshll.u32 s5, $0x3;
	s1 =	sadd.s32 s1, s2  }
0xc: {  	s2 =	ssub.s32 s7, s20;
	s22 =	sadd.s32 $0x1C00, s21;
	s5 =	sadd.s32 $0x1800, s21  }
0xd: {  	s24 =	sadd.s32 $0x1400, s21;
	s26 =	sadd.s32 $0x1000, s21;
	[dreg:$0x5] =	wrdreg s22  }
0xe: {  	s11 =	sadd.s32 $0xC00, s21;
	s12 =	sadd.s32 $0x800, s21;
	[dreg:$0x6] =	wrdreg s5  }
0xf: {  	s13 =	sor.u32 $0x400, s21;
	s21 =	simm.s32 $0x11900;
	[dreg:$0x7] =	wrdreg s24  }
0x10: {  	s20 =	simm.s32 $0xA;
	s1 =	sadd.s32 $0x800, s1;
	[dreg:$0x8] =	wrdreg s26  }
.Ltmp0:
0x11: {  	s2 =	smax.u32 s2, $0x1;
	[dreg:$0x3] =	wrdreg s1;
	(pc) =	sbr.rel .LBB2_1-.Ltmp0, $4  }
0x12: {  	s5 =	simm.s32 $0x6;
	s22 =	simm.s32 $0x12;
	[dreg:$0x4] =	wrdreg s2  }
0x13: {  	s2 =	sadd.s32 s25, s23;
	s23 =	simm.s32 $0x2;
	s25 =	simm.s32 $0x13900  }
0x14: {  	s1 =	simm.s32 $0x5;
	s31 =	sadd.s32 $0x12000, s2;
	s2 =	sadd.s32 $0x10000, s2  }
0x15: {  	s15 =	sshrl.u32 s31, $0x3;
	s16 =	sshrl.u32 s2, $0x3;
	s2 =	simm.s32 $0x1  }
.LBB2_4:
0x16: {  	s7 =	simm.s32 $0xB  }
0x17: {  	_ =	swait.ge [sflag:s7], $0x2000  }
0x18: {  	[sflag:s7] =	ssyncset.done $0x0  }
0x19: {  	s31 =	simm.s32 $0xC;
	[sflag:s7] =	ssyncadd.s32 $0xFFFFE000  }
0x1a: {  	_ =	swait.ge [sflag:s31], $0x2000  }
0x1b: {  	[sflag:s31] =	ssyncset.done $0x0  }
0x1c: {  	s8 =	simm.s32 $0xD;
	[sflag:s31] =	ssyncadd.s32 $0xFFFFE000  }
0x1d: {  	_ =	swait.ge [sflag:s8], $0x2000  }
0x1e: {  	[sflag:s8] =	ssyncset.done $0x0  }
0x1f: {  	s9 =	simm.s32 $0xE;
	[sflag:s8] =	ssyncadd.s32 $0xFFFFE000  }
0x20: {  	_ =	swait.ge [sflag:s9], $0x2000  }
0x21: {  	[sflag:s9] =	ssyncset.done $0x0  }
0x22: {  	s10 =	simm.s32 $0xF;
	[sflag:s9] =	ssyncadd.s32 $0xFFFFE000  }
0x23: {  	_ =	swait.ge [sflag:s10], $0x2000  }
0x24: {  	[sflag:s10] =	ssyncset.done $0x0  }
0x25: {  	s24 =	simm.s32 $0x10;
	[sflag:s10] =	ssyncadd.s32 $0xFFFFE000  }
0x26: {  	_ =	swait.ge [sflag:s24], $0x2000  }
0x27: {  	[sflag:s24] =	ssyncset.done $0x0  }
0x28: {  	s26 =	simm.s32 $0x11;
	[sflag:s24] =	ssyncadd.s32 $0xFFFFE000  }
0x29: {  	_ =	swait.ge [sflag:s26], $0x2000  }
0x2a: {  	[sflag:s26] =	ssyncset.done $0x0  }
0x2b: {  	[sflag:s26] =	ssyncadd.s32 $0xFFFFE000  }
0x2c: {  	_ =	swait.ge [sflag:s22], $0x2000  }
0x2d: {  	[sflag:s22] =	ssyncset.done $0x0  }
0x2e: {  	s29 =	simm.s32 $0x13;
	[sflag:s22] =	ssyncadd.s32 $0xFFFFE000  }
0x2f: {  	_ =	swait.ge [sflag:s29], $0x2000  }
0x30: {  	[sflag:s29] =	ssyncset.done $0x0  }
0x31: {  	s8 =	simm.s32 $0x14;
	[sflag:s29] =	ssyncadd.s32 $0xFFFFE000  }
0x32: {  	_ =	swait.ge [sflag:s8], $0x2000  }
0x33: {  	s9 =	rddreg [dreg:$0x9]  }
0x34: {  	s31 =	rddreg [dreg:$0x4];
	s9 =	sadd.s32 $0x1, s9  }
0x35: {  	p0 =	sne.s32 s9, s31  }
.Ltmp1:
0x36: {  	_ = 	snop;
	(pc) =	sbr.rel @!p0 .LBB2_5-.Ltmp1, $3  }
0x37: {  	_ =	sdelay $0x1  }
0x38: {  	[sflag:s8] =	ssyncset.done $0x0  }
0x39: {  	[sflag:s8] =	ssyncadd.s32 $0xFFFFE000  }
.LBB2_1:
0x3a: {  	[dreg:$0x9] =	wrdreg s9  }
0x3b: {  	s7 =	rddreg [dreg:$0x3];
	s26 =	simm.s32 $0x15  }
0x3c: {  	[tilespmem:s3], [sflag:$0x15] =	stream.linear.gather [hbm4b:s7+s3], $0x1900, $0x38;
	[tilespmem:$0x15900] =	vst v63  }
0x3d: {  	_ =	swait.ge [sflag:s26], $0x1900  }
0x3e: {  	[sflag:s26] =	ssyncset.done $0x0  }
0x3f: {  	s31 =	simm.s32 $0x1900;
	[sflag:s26] =	ssyncadd.s32 $0xFFFFE700  }
0x40: {  	[tilespmem:s31], [sflag:$0x1] =	stream.indirect.gather [hbm4b:s4+s18], $0x40, s3, s18, $0xb8;
	[tilespmem:$0x15900] =	vst v63  }
0x41: {  	s8 =	simm.s32 $0x3900  }
0x42: {  	[tilespmem:s8], [sflag:$0x2] =	stream.indirect.gather [hbm4b:s4+s18], $0x40, s18, s18, $0xb8;
	[tilespmem:$0x15900] =	vst v63  }
0x43: {  	s9 =	simm.s32 $0x100;
	s8 =	simm.s32 $0x5900  }
0x44: {  	[tilespmem:s8], [sflag:$0x3] =	stream.indirect.gather [hbm4b:s4+s18], $0x40, s9, s18, $0xb8;
	[tilespmem:$0x15900] =	vst v63  }
0x45: {  	s10 =	simm.s32 $0x180;
	s24 =	simm.s32 $0x7900  }
0x46: {  	[tilespmem:s24], [sflag:$0x4] =	stream.indirect.gather [hbm4b:s4+s18], $0x40, s10, s18, $0xb8;
	[tilespmem:$0x15900] =	vst v63  }
0x47: {  	s26 =	simm.s32 $0x200;
	s31 =	simm.s32 $0x9900  }
0x48: {  	[tilespmem:s31], [sflag:$0x5] =	stream.indirect.gather [hbm4b:s4+s18], $0x40, s26, s18, $0xb8;
	[tilespmem:$0x15900] =	vst v63  }
0x49: {  	s9 =	simm.s32 $0x280;
	s10 =	simm.s32 $0xB900  }
0x4a: {  	[tilespmem:s10], [sflag:$0x6] =	stream.indirect.gather [hbm4b:s4+s18], $0x40, s9, s18, $0xb8;
	[tilespmem:$0x15900] =	vst v63  }
0x4b: {  	s29 =	simm.s32 $0x0;
	s24 =	simm.s32 $0x300;
	s26 =	simm.s32 $0xD900  }
0x4c: {  	[tilespmem:s26], [sflag:$0x7] =	stream.indirect.gather [hbm4b:s4+s18], $0x40, s24, s18, $0xb8;
	[tilespmem:$0x15900] =	vst v63  }
0x4d: {  	s31 =	simm.s32 $0x380;
	s24 =	simm.s32 $0xFFFFFFFE;
	s26 =	rddreg [dreg:$0x1]  }
0x4e: {  	[tilespmem:s0], [sflag:$0x8] =	stream.indirect.gather [hbm4b:s4+s18], $0x40, s31, s18, $0xb8;
	[tilespmem:$0x15900] =	vst v63  }
.LBB2_2:
0x4f: {  	_ =	swait.ge [sflag:s2], $0x2000  }
0x50: {  	s7 =	sadd.s32 s26, s14;
	[sflag:s2] =	ssyncset.done $0x0  }
0x51: {  	s8 =	simm.s32 $0x1900;
	p0 =	sgt.u32 s24, $0x27;
	[sflag:s2] =	ssyncadd.s32 $0xFFFFE000  }
0x52: {  	[hbm4b:s7+s3] =	stream.linear.scatter [tilespmem:s8], [sflag:$0xB], $0x2000, $0x38;
	[tilespmem:$0x15900] =	vst v63  }
0x53: {  	s7 =	simm.s32 @!p0 $0x13  }
0x54: {  	_ =	swait.ge @!p0 [sflag:s7], $0x2000  }
0x55: {  	s31 =	sshra.s32 s29, $0x2;
	[sflag:s7] =	ssyncset.done @!p0 $0x0  }
0x56: {  	s10 =	sadd.s32 $0x400, s31;
	[sflag:s7] =	ssyncadd.s32 @!p0 $0xFFFFE000  }
0x57: {  	[tilespmem:s21], [sflag:$0x9] =	stream.indirect.gather [hbm4b:s4+s18], $0x40, s10, s18, $0xb8;
	[tilespmem:$0x15900] =	vst v63  }
0x58: {  	_ =	swait.ge [sflag:s23], $0x2000  }
0x59: {  	s9 =	simm.s32 $0x3900;
	[sflag:s23] =	ssyncset.done $0x0  }
0x5a: {  	s8 =	sadd.s32 s26, s13;
	s7 =	simm.s32 @!p0 $0x14;
	[sflag:s23] =	ssyncadd.s32 $0xFFFFE000  }
0x5b: {  	[hbm4b:s8+s3] =	stream.linear.scatter [tilespmem:s9], [sflag:$0xC], $0x2000, $0x38;
	[tilespmem:$0x15900] =	vst v63  }
0x5c: {  	_ =	swait.ge @!p0 [sflag:s7], $0x2000  }
0x5d: {  	[sflag:s7] =	ssyncset.done @!p0 $0x0  }
0x5e: {  	s10 =	sadd.s32 $0x480, s31;
	[sflag:s7] =	ssyncadd.s32 @!p0 $0xFFFFE000  }
0x5f: {  	[tilespmem:s25], [sflag:$0xA] =	stream.indirect.gather [hbm4b:s4+s18], $0x40, s10, s18, $0xb8;
	[tilespmem:$0x15900] =	vst v63  }
0x60: {  	_ =	swait.ge [sflag:s28], $0x2000  }
0x61: {  	s8 =	sadd.s32 s26, s12;
	p0 =	seq.s32 s29, $0x5000;
	[sflag:s28] =	ssyncset.done $0x0  }
0x62: {  	s9 =	simm.s32 $0x5900;
	s7 =	simm.s32 @!p0 $0xB;
	[sflag:s28] =	ssyncadd.s32 $0xFFFFE000  }
0x63: {  	[hbm4b:s8+s3] =	stream.linear.scatter [tilespmem:s9], [sflag:$0xD], $0x2000, $0x38;
	[tilespmem:$0x15900] =	vst v63  }
0x64: {  	_ =	swait.ge @!p0 [sflag:s7], $0x2000  }
0x65: {  	[sflag:s7] =	ssyncset.done @!p0 $0x0  }
0x66: {  	[sflag:s7] =	ssyncadd.s32 @!p0 $0xFFFFE000;
	s7 =	sshra.s32 @!p0 s29, $0x2  }
0x67: {  	s10 =	simm.s32 @!p0 $0x1900;
	s8 =	simm.s32 @!p0 $0x80;
	s9 =	sadd.s32 @!p0 $0x500, s7  }
0x68: {  	[tilespmem:s10], [sflag:$0x1] =	stream.indirect.gather @!p0 [hbm4b:s4+s8], $0x40, s9, s8, $0xb8;
	[tilespmem:$0x15900] =	vst v63  }
0x69: {  	_ =	swait.ge [sflag:s30], $0x2000  }
0x6a: {  	[sflag:s30] =	ssyncset.done $0x0  }
0x6b: {  	s9 =	sadd.s32 s26, s11;
	s10 =	simm.s32 $0x7900;
	[sflag:s30] =	ssyncadd.s32 $0xFFFFE000  }
0x6c: {  	[hbm4b:s9+s3] =	stream.linear.scatter [tilespmem:s10], [sflag:$0xE], $0x2000, $0x38;
	[tilespmem:$0x15900] =	vst v63  }
0x6d: {  	s9 =	simm.s32 @!p0 $0xC  }
0x6e: {  	_ =	swait.ge @!p0 [sflag:s9], $0x2000  }
0x6f: {  	[sflag:s9] =	ssyncset.done @!p0 $0x0  }
0x70: {  	s10 =	simm.s32 @!p0 $0x3900;
	[sflag:s9] =	ssyncadd.s32 @!p0 $0xFFFFE000;
	s9 =	sadd.s32 @!p0 $0x580, s7  }
0x71: {  	[tilespmem:s10], [sflag:$0x2] =	stream.indirect.gather @!p0 [hbm4b:s4+s8], $0x40, s9, s8, $0xb8;
	[tilespmem:$0x15900] =	vst v63  }
0x72: {  	_ =	swait.ge [sflag:s1], $0x2000  }
0x73: {  	[sflag:s1] =	ssyncset.done $0x0;
	s10 =	rddreg [dreg:$0x8]  }
0x74: {  	[sflag:s1] =	ssyncadd.s32 $0xFFFFE000;
	s9 =	sadd.s32 s26, s10;
	s10 =	simm.s32 $0x9900  }
0x75: {  	[hbm4b:s9+s3] =	stream.linear.scatter [tilespmem:s10], [sflag:$0xF], $0x2000, $0x38;
	[tilespmem:$0x15900] =	vst v63  }
0x76: {  	s9 =	simm.s32 @!p0 $0xD  }
0x77: {  	_ =	swait.ge @!p0 [sflag:s9], $0x2000  }
0x78: {  	[sflag:s9] =	ssyncset.done @!p0 $0x0  }
0x79: {  	s10 =	simm.s32 @!p0 $0x5900;
	[sflag:s9] =	ssyncadd.s32 @!p0 $0xFFFFE000;
	s9 =	sadd.s32 @!p0 $0x600, s7  }
0x7a: {  	[tilespmem:s10], [sflag:$0x3] =	stream.indirect.gather @!p0 [hbm4b:s4+s8], $0x40, s9, s8, $0xb8;
	[tilespmem:$0x15900] =	vst v63  }
0x7b: {  	_ =	swait.ge [sflag:s5], $0x2000  }
0x7c: {  	[sflag:s5] =	ssyncset.done $0x0;
	s10 =	rddreg [dreg:$0x7]  }
0x7d: {  	[sflag:s5] =	ssyncadd.s32 $0xFFFFE000;
	s9 =	sadd.s32 s26, s10;
	s10 =	simm.s32 $0xB900  }
0x7e: {  	[hbm4b:s9+s3] =	stream.linear.scatter [tilespmem:s10], [sflag:$0x10], $0x2000, $0x38;
	[tilespmem:$0x15900] =	vst v63  }
0x7f: {  	s9 =	simm.s32 @!p0 $0xE  }
0x80: {  	_ =	swait.ge @!p0 [sflag:s9], $0x2000  }
0x81: {  	[sflag:s9] =	ssyncset.done @!p0 $0x0  }
0x82: {  	s10 =	simm.s32 @!p0 $0x7900;
	[sflag:s9] =	ssyncadd.s32 @!p0 $0xFFFFE000;
	s9 =	sadd.s32 @!p0 $0x680, s7  }
0x83: {  	[tilespmem:s10], [sflag:$0x4] =	stream.indirect.gather @!p0 [hbm4b:s4+s8], $0x40, s9, s8, $0xb8;
	[tilespmem:$0x15900] =	vst v63  }
0x84: {  	_ =	swait.ge [sflag:s6], $0x2000  }
0x85: {  	[sflag:s6] =	ssyncset.done $0x0;
	s10 =	rddreg [dreg:$0x6]  }
0x86: {  	[sflag:s6] =	ssyncadd.s32 $0xFFFFE000;
	s9 =	sadd.s32 s26, s10;
	s10 =	simm.s32 $0xD900  }
0x87: {  	[hbm4b:s9+s3] =	stream.linear.scatter [tilespmem:s10], [sflag:$0x11], $0x2000, $0x38;
	[tilespmem:$0x15900] =	vst v63  }
0x88: {  	s9 =	simm.s32 @!p0 $0xF  }
0x89: {  	_ =	swait.ge @!p0 [sflag:s9], $0x2000  }
0x8a: {  	[sflag:s9] =	ssyncset.done @!p0 $0x0  }
0x8b: {  	s10 =	simm.s32 @!p0 $0x9900;
	[sflag:s9] =	ssyncadd.s32 @!p0 $0xFFFFE000;
	s9 =	sadd.s32 @!p0 $0x700, s7  }
0x8c: {  	[tilespmem:s10], [sflag:$0x5] =	stream.indirect.gather @!p0 [hbm4b:s4+s8], $0x40, s9, s8, $0xb8;
	[tilespmem:$0x15900] =	vst v63  }
0x8d: {  	_ =	swait.ge [sflag:s17], $0x2000  }
0x8e: {  	[sflag:s17] =	ssyncset.done $0x0;
	s10 =	rddreg [dreg:$0x5]  }
0x8f: {  	[sflag:s17] =	ssyncadd.s32 $0xFFFFE000;
	s9 =	sadd.s32 s26, s10  }
0x90: {  	[hbm4b:s9+s3] =	stream.linear.scatter [tilespmem:s0], [sflag:$0x12], $0x2000, $0x38;
	[tilespmem:$0x15900] =	vst v63  }
0x91: {  	s9 =	simm.s32 @!p0 $0x10  }
0x92: {  	_ =	swait.ge @!p0 [sflag:s9], $0x2000  }
0x93: {  	[sflag:s9] =	ssyncset.done @!p0 $0x0  }
0x94: {  	s10 =	simm.s32 @!p0 $0xB900;
	[sflag:s9] =	ssyncadd.s32 @!p0 $0xFFFFE000;
	s9 =	sadd.s32 @!p0 $0x780, s7  }
0x95: {  	[tilespmem:s10], [sflag:$0x6] =	stream.indirect.gather @!p0 [hbm4b:s4+s8], $0x40, s9, s8, $0xb8;
	[tilespmem:$0x15900] =	vst v63  }
0x96: {  	_ =	swait.ge [sflag:s19], $0x2000  }
0x97: {  	[sflag:s19] =	ssyncset.done $0x0  }
0x98: {  	s10 =	sadd.s32 s26, s16;
	s9 =	simm.s32 @!p0 $0x11;
	[sflag:s19] =	ssyncadd.s32 $0xFFFFE000  }
0x99: {  	[hbm4b:s10+s3] =	stream.linear.scatter [tilespmem:s21], [sflag:$0x13], $0x2000, $0x38;
	[tilespmem:$0x15900] =	vst v63  }
0x9a: {  	_ =	swait.ge @!p0 [sflag:s9], $0x2000  }
0x9b: {  	[sflag:s9] =	ssyncset.done @!p0 $0x0  }
0x9c: {  	s7 =	sadd.s32 @!p0 $0x800, s7;
	[sflag:s9] =	ssyncadd.s32 @!p0 $0xFFFFE000;
	s9 =	simm.s32 @!p0 $0xD900  }
0x9d: {  	[tilespmem:s9], [sflag:$0x7] =	stream.indirect.gather @!p0 [hbm4b:s4+s8], $0x40, s7, s8, $0xb8;
	[tilespmem:$0x15900] =	vst v63  }
.Ltmp2:
0x9e: {  	_ = 	snop;
	(pc) =	sbr.rel @p0 .LBB2_4-.Ltmp2, $4  }
0x9f: {  	_ =	swait.ge [sflag:s20], $0x2000  }
0xa0: {  	[sflag:s20] =	ssyncset.done $0x0  }
0xa1: {  	s10 =	sadd.s32 s26, s15;
	[sflag:s20] =	ssyncadd.s32 $0xFFFFE000  }
0xa2: {  	[hbm4b:s10+s3] =	stream.linear.scatter [tilespmem:s25], [sflag:$0x14], $0x2000, $0x38;
	[tilespmem:$0x15900] =	vst v63  }
.Ltmp3:
0xa3: {  	(pc) =	sbr.rel .LBB2_2-.Ltmp3, $4  }
0xa4: {  	_ =	swait.ge [sflag:s22], $0x2000  }
0xa5: {  	s7 =	sadd.s32 $0x880, s31;
	s29 =	sadd.s32 $0x1400, s29;
	[sflag:s22] =	ssyncset.done $0x0  }
0xa6: {  	s26 =	sadd.s32 $0x2800, s26;
	s24 =	sadd.s32 $0xA, s24;
	[sflag:s22] =	ssyncadd.s32 $0xFFFFE000  }
0xa7: {  	[tilespmem:s0], [sflag:$0x8] =	stream.indirect.gather [hbm4b:s4+s18], $0x40, s7, s18, $0xb8;
	[tilespmem:$0x15900] =	vst v63  }
.LBB2_5:
0xa8: {  	_ =	sfence.sel $0x180000  }
0xa9: {  	[bflag:$0x0] =	sbarrier.arrive $0xFFFF  }
0xaa: {  	_ =	strace $0x90000047  }
0xab: {  	s0 =	stileid.u32;
	[bflag:$0x2] =	sbarrier.arrive $0xFFFF  }
0xac: {  	p0 =	sne.s32 s0, $0x0;
	s0 =	rddreg [dreg:$0x2]  }
0xad: {  	s0 =	sadd.s32 @!p0 $0x100000, s0  }
0xae: {  	[sflag:s0] =	ssyncadd.tile.s32 @!p0 $0x1;
	_ =	shalt  }
.Lfunc_end2:
_tile_overlayer_lowered:
.L_overlay_start_2:
0xaf: {  	(tag) =	ssettag $0x2  }
0xb0: {  	s0 =	rddreg [dreg:$0x0];
	s2 =	stileid.u32  }
0xb1: {  	s1 =	rddreg [dreg:$0x1];
	p0 =	sne.s32 s2, $0x0  }
0xb2: {  	s3 =	rddreg [dreg:$0x2];
	[bflag:$0x3] =	sbarrier.arrive $0xFFFF;
	s2 =	simm.s32 @!p0 $0x1C15  }
0xb3: {  	[timem:s3], [sflag:s2] =	dma.local @!p0 [hbm:s0], s1  }
0xb4: {  	s0 =	simm.s32 @!p0 $0x15  }
0xb5: {  	_ =	swait.ge @!p0 [sflag:s0], s1  }
0xb6: {  	s1 =	ssub.s32 @!p0 $0x0, s1;
	[sflag:s0] =	ssyncset.done @!p0 $0x0  }
0xb7: {  	[sflag:s0] =	ssyncadd.s32 @!p0 s1  }
0xb8: {  	[bflag:$0x3] =	sbarrier.arrive $0xFFFF  }
0xb9: {  	_ =	shalt  }

// kernel: sparse-core-data-format-call.cloned.1.call-start
scs
called_computation_lowered:
.L_overlay_start_0:
0x0: {  	s2 =	sld [smem:$0x3FD9]  }
0x1: {  	s3 =	sld [smem:$0x3FFE];
	_ =	sdelay $0x1  }
0x2: {  	s1 =	srdreg.scid  }
0x3: {  	s0 =	sand.u32 $0x1, s1  }
0x4: {  	s18 =	sshll.u32 s0, $0xA;
	s2 =	sadd.s32 s3, s2  }
0x5: {  	s2 =	sadd.s32 s2, s18  }
0x6: {  	[smem:$0x3FC6] =	sst s2  }
0x7: {  	_ = 	snop  }
0x8: {  	s2 =	sld [smem:$0x3FD0];
	(tm) =	ssettm $0x1  }
0x9: {  	s19 =	sld [smem:$0x3FFB];
	_ =	sdelay $0x3  }
0xa: {  	_ =	strace s19  }
0xb: {  	s3 =	sld [smem:$0x3FFC];
	_ =	sdelay $0x3  }
0xc: {  	_ =	strace s3  }
0xd: {  	s3 =	sld [smem:$0x3FFD];
	_ =	sdelay $0x3  }
0xe: {  	_ =	strace s3  }
0xf: {  	_ =	strace $0x8FFFFFFF  }
0x10: {  	s20 =	sld [smem:$0x3FDB];
	_ =	sdelay $0x1  }
0x11: {  	s4 =	simm.s32 $_scs_section_size  }
0x12: {  	s5 =	simm.s32 $_size__tile_overlayer_lowered;
	s6 =	simm.s32 $_tile_overlayer_lowered  }
0x13: {  	s23 =	simm.s32 $0x1BFF;
	s22 =	sshll.u32 s6, $0x1;
	s3 =	sadd.s32 s4, s20  }
0x14: {  	s7 =	simm.s32 $0x0;
	s21 =	sshll.u32 s5, $0x1;
	s5 =	sadd.s32 s22, s3  }
0x15: {  	[timem:s7], [sflag:s23] =	dma.local [hbm:s5], s21  }
0x16: {  	_ =	swait.ge [sflag:s23], s21  }
0x17: {  	s4 =	ssub.s32 $0x0, s21;
	[sflag:s23] =	ssyncset.done $0x0  }
0x18: {  	[sflag:s23] =	ssyncadd.s32 s4;
	_ =	sdelay $0x1  }
0x19: {  	s24 =	simm.s32 $0x1B8B  }
0x1a: {  	_ =	swait.ge [sflag:s24], $0x1  }
0x1b: {  	[sflag:s24] =	ssyncset.done $0x0  }
0x1c: {  	s26 =	simm.s32 $0x1B8E;
	s25 =	sld [smem:$0x3FFE];
	[sflag:s24] =	ssyncadd.s32 $0xFFFFFFFF  }
0x1d: {  	s27 =	simm.s32 $execute0_lowered;
	[smem:$0x3FD2] =	sst s26  }
0x1e: {  	s5 =	sshll.u32 s27, $0x1;
	_ =	strace $0x80000049;
	[dreg:$0x1] =	wrdreg $0xFFFFFFFF  }
0x1f: {  	s28 =	simm.s32 $_size_execute0_lowered;
	s3 =	sadd.s32 s3, s5;
	[dreg:$0x0] =	wrdreg $0x0  }
0x20: {  	s5 =	sshll.u32 s28, $0x1;
	[dreg:$0x2] =	wrdreg s3  }
0x21: {  	[dreg:$0x3] =	wrdreg s5  }
0x22: {  	[dreg:$0x4] =	wrdreg $0xC0  }
0x23: {  	_ =	task [dreg:s7], $0x5FFFF  }
0x24: {  	[dreg:$0x1] =	wrdreg $0xFFFFFFFF  }
0x25: {  	[dreg:$0x0] =	wrdreg $0x60  }
0x26: {  	[dreg:$0x2] =	wrdreg s25  }
0x27: {  	[dreg:$0x3] =	wrdreg s2  }
0x28: {  	[dreg:$0x4] =	wrdreg $0x9  }
0x29: {  	_ =	task.clear_ibuf [dreg:s7], $0x5FFFF;
	_ =	strace $0x90000049  }
0x2a: {  	s29 =	simm.s32 $0x9;
	_ =	strace $0x8000004B  }
0x2b: {  	_ =	swait.ge [sflag:s29], $0x1  }
0x2c: {  	[sflag:s29] =	ssyncadd.s32 $0xFFFFFFFF  }
0x2d: {  	_ =	strace $0x9000004B  }
0x2e: {  	_ =	sfence  }
0x2f: {  	s30 =	sld [smem:$0x0];
	_ =	sdelay $0x2  }
0x30: {  	s31 =	sshll.u32 s1, $0xD;
	s1 =	sshrl.u32 s1, $0x2  }
0x31: {  	s3 =	sand.u32 $0x4000, s31;
	s1 =	sadd.s32 s1, s30  }
0x32: {  	s0 =	sor.u32 s3, s0;
	s1 =	sshll.u32 s1, $0x11  }
0x33: {  	s0 =	sor.u32 s1, s0  }
0x34: {  	s0 =	sadd.s32 $0x8F2B, s0  }
0x35: {  	[sflag:s0] =	ssyncadd.remote.s32 $0x1  }
0x36: {  	_ =	sfence.sel $0xFFFF  }
0x37: {  	[dreg:$0x0] =	wrdreg $0xFFFFFFFF;
	(pc) =	sbr.abs _section_cstart, $3  }
0x38: {  	[dreg:$0x1] =	wrdreg $0xFFFFFFFF  }
0x39: {  	_ =	task.clear_ibuf [dreg:s7], $0x2FFFF;
	_ =	strace $0x9FFFFFFF  }
0x3a: {  	(tm) =	ssettm $0x7FFFFFFF  }
0x3b: {  	_ =	shalt  }
tec
execute0_lowered:
.L_overlay_start_1:
0x0: {  	(tag) =	ssettag $0x1  }
0x1: {  	s0 =	srdreg.scid  }
0x2: {  	s1 =	sshll.u32 s0, $0x4  }
0x3: {  	s0 =	stileid.u32;
	s1 =	sand.u32 $0x10, s1  }
0x4: {  	s1 =	sor.u32 s0, s1  }
0x5: {  	s6 =	rddreg [dreg:$0x0];
	s4 =	simm.s32 $0x1;
	s2 =	sshll.u32 s1, $0x7  }
0x6: {  	s7 =	simm.s32 $0x2;
	s12 =	simm.s32 $0x0;
	s1 =	ssub.s32 $0x1000, s2  }
0x7: {  	s8 =	simm.s32 $0x8000;
	s13 =	simm.s32 $0x0;
	s3 =	sand.u32 $0xF80, s1  }
0x8: {  	s9 =	simm.s32 $0x0;
	s5 =	sshrl.u32 s1, $0xC;
	p0 =	sne.s32 s3, $0x0  }
.Ltmp0:
0x9: {  	s1 =	rddreg [dreg:$0x2];
	s4 =	simm.s32 @!p0 $0x0;
	(pc) =	sbr.rel .LBB1_1-.Ltmp0, $4  }
0xa: {  	s11 =	simm.s32 $0x0;
	s3 =	rddreg [dreg:$0x1];
	s5 =	sadd.s32 s4, s5  }
0xb: {  	_ =	strace $0x8000004A;
	s4 =	simm.s32 $0x1;
	s5 =	smul.u32 $0x32, s5  }
0xc: {  	s6 =	sadd.s32 $0x800, s6;
	s10 =	smov.u32 s2;
	[sflag:s4] =	ssyncpa.u1 $0x0  }
0xd: {  	p0 =	por $0x0, $0x0;
	[sflag:s7] =	ssyncpa.u1 $0x0;
	s7 =	sor.u32 $0x1, s5  }
.LBB1_4:
0xe: {  	s16 =	sshll.u32 s13, $0x3;
	s17 =	sand.u32 $0x78, s13  }
0xf: {  	s30 =	sand.u32 $0x7E00, s13;
	s12 =	sshll.u32 s12, $0xF;
	s16 =	sand.u32 $0xC00, s16  }
0x10: {  	[tilespmem:s15+$0x810 ss:$0x81] =	vst.msk $0xffff, v2;
	s31 =	sand.u32 $0x7, s13;
	s16 =	sor.u32 s17, s16;
	s17 =	sadd.s32 s3, s30  }
0x11: {  	[tilespmem:s15+$0x1020 ss:$0x81] =	vst.msk $0xffff, v0;
	s13 =	sshll.u32 s31, $0x12;
	s12 =	sadd.s32 s12, s17;
	s16 =	sshrl.u32 s16, $0x3  }
0x12: {  	[tilespmem:s15+$0x0 ss:$0x81] =	vst.msk $0xffff, v1;
	s13 =	sor.u32 $0x400, s13;
	s12 =	sadd.s32 s16, s12  }
0x13: {  	[hbm4b:s12+s13] =	stream.strided.scatter [tilespmem:s14], [sflag:$0x2], $0x2000, s8, s13, $0x20;
	[tilespmem:$0x8080] =	vst v63  }
.LBB1_5:
0x14: {  	s14 =	sadd.s32 $0x1, s9  }
0x15: {  	s12 =	sadd.s32 $0x1000, s10;
	s16 =	smov.u32 s10;
	p2 =	sgt.s32 s14, $0x31  }
0x16: {  	s16 =	smov.u32 @p2 s12  }
0x17: {  	s14 =	simm.s32 @p2 $0x0;
	p2 =	sgt.s32 s16, $0xFFF  }
0x18: {  	s16 =	smov.u32 @p2 s2;
	p2 =	sne.s32 s11, s7  }
.Ltmp1:
0x19: {  	p1 =	slt.u32 s11, $0x2;
	(pc) =	sbr.rel @!p2 .LBB1_6-.Ltmp1, $4  }
0x1a: {  	s15 =	simm.s32 @!p1 $0x2  }
0x1b: {  	s13 =	smov.u32 s10;
	p0 =	por !p0, !p0;
	_ =	swait.ge @!p1 [sflag:s15], $0x2000  }
0x1c: {  	s12 =	smov.u32 s9;
	[sflag:s15] =	ssyncset.done @!p1 $0x0;
	s9 =	smov.u32 s14  }
0x1d: {  	s11 =	sadd.s32 $0x1, s11;
	[sflag:s15] =	ssyncadd.s32 @!p1 $0xFFFFE000;
	s10 =	smov.u32 s16  }
.LBB1_1:
0x1e: {  	p1 =	sge.u32 s11, s5  }
0x1f: {  	s14 =	sand.u32 @!p1 $0x1FFFFFF, s9  }
0x20: {  	s15 =	smulhi.u32 @!p1 $0x4924925, s14;
	_ =	sdelay $0x1  }
0x21: {  	s15 =	smul.u32 @!p1 $0x38, s15  }
0x22: {  	s16 =	sxor.u32 @!p1 $0xFFFFFFFF, s11;
	s17 =	smul.u32 @!p1 $0x380, s10  }
0x23: {  	s31 =	sadd.s32 $0xFFFFFFFF, s11;
	s16 =	sshll.u32 @!p1 s16, $0xD;
	s14 =	ssub.s32 @!p1 s14, s15  }
0x24: {  	s15 =	sand.u32 @!p1 $0x2000, s16;
	s16 =	sadd.s32 @!p1 s6, s17;
	s14 =	sshll.u32 @!p1 s14, $0x4  }
0x25: {  	s17 =	simm.s32 @!p1 $0x1C00;
	s14 =	sadd.s32 @!p1 s14, s16;
	s16 =	simm.s32 @!p1 $0x40  }
0x26: {  	[tilespmem:s15], [sflag:$0x1] =	stream.strided.gather @!p1 [hbm4b:s14+s16], $0x2000, s17, s16, $0x38;
	[tilespmem:$0x8080] =	vst v63  }
0x27: {  	p1 =	sge.u32 s31, s5  }
.Ltmp2:
0x28: {  	_ = 	snop;
	(pc) =	sbr.rel @p1 .LBB1_5-.Ltmp2, $1  }
0x29: {  	_ =	sdelay $0x3  }
0x2a: {  	s14 =	simm.s32 $0x1  }
0x2b: {  	_ =	swait.ge [sflag:s4], $0x2000;
	s14 =	simm.s32 @!p0 $0x0  }
0x2c: {  	[sflag:s4] =	ssyncset.done $0x0;
	s15 =	sshll.u32 s14, $0xD  }
0x2d: {  	[sflag:s4] =	ssyncadd.s32 $0xFFFFE000;
	s18 =	sor.u32 $0x20, s15  }
0x2e: {  	s14 =	smul.u32 $0x8100, s14;
	v3 =	vld [tilespmem:s18+$0x10]  }
0x2f: {  	s30 =	sand.u32 $0x1, s11;
	v2 =	vld [tilespmem:s18+$0xFFFFFFF0]  }
0x30: {  	s15 =	smul.u32 $0x8100, s30;
	s14 =	sshrl.u32 s14, $0x2;
	v0 =	vld [tilespmem:s18+$0x0]  }
0x31: {  	v1 =	vld [tilespmem:s18+$0xFFFFFFE0];
	s16 =	sor.u32 $0x4000, s14  }
0x32: {  	s31 =	sshrl.u32 s15, $0x2;
	s15 =	sadd.s32 $0x0, s16  }
0x33: {  	s17 =	simm.s32 $0x4;
	s18 =	sadd.s32 $0x40, s18;
	s14 =	sor.u32 $0x4000, s31;
	[tilespmem:s15+$0x1830 ss:$0x81] =	vst.msk $0xffff, v3  }
.LBB1_3:
0x34: {  	v3 =	vld [tilespmem:s18+$0x10];
	p1 =	sne.s32 s17, $0x1FC;
	[tilespmem:s15+$0x810 ss:$0x81] =	vst.msk $0xffff, v2;
	s19 =	smov.u32 s17;
	s17 =	sadd.s32 $0x4, s17  }
.Ltmp3:
0x35: {  	v2 =	vld [tilespmem:s18+$0xFFFFFFF0];
	[tilespmem:s15+$0x1020 ss:$0x81] =	vst.msk $0xffff, v0;
	(pc) =	sbr.rel @p1 .LBB1_3-.Ltmp3, $4  }
0x36: {  	v0 =	vld [tilespmem:s18+$0x0];
	[tilespmem:s15+$0x0 ss:$0x81] =	vst.msk $0xffff, v1  }
0x37: {  	s15 =	sshra.s32 s19, $0x2;
	v1 =	vld [tilespmem:s18+$0xFFFFFFE0]  }
0x38: {  	s15 =	sadd.s32 s15, s16  }
0x39: {  	s18 =	sadd.s32 $0x40, s18;
	[tilespmem:s15+$0x1830 ss:$0x81] =	vst.msk $0xffff, v3  }
.Ltmp4:
0x3a: {  	_ = 	snop;
	(pc) =	sbr.rel .LBB1_4-.Ltmp4, $1  }
0x3b: {  	_ =	sdelay $0x3  }
.LBB1_6:
0x3c: {  	_ =	sfence.sel $0x180000  }
0x3d: {  	s2 =	simm.s32 $0x1;
	[bflag:$0x0] =	sbarrier.arrive $0xFFFF  }
0x3e: {  	s31 =	simm.s32 $0x2;
	[sflag:s2] =	ssyncpa.u1 $0x1  }
0x3f: {  	[sflag:s31] =	ssyncpa.u1 $0x1  }
0x40: {  	p0 =	sne.s32 s0, $0x0;
	_ =	strace $0x9000004A  }
0x41: {  	s0 =	sadd.s32 @!p0 $0x100000, s1;
	[bflag:$0x2] =	sbarrier.arrive $0xFFFF  }
0x42: {  	[sflag:s0] =	ssyncadd.tile.s32 @!p0 $0x1;
	_ =	shalt  }
.Lfunc_end1:
_tile_overlayer_lowered:
.L_overlay_start_2:
0x43: {  	(tag) =	ssettag $0x2  }
0x44: {  	s0 =	rddreg [dreg:$0x0];
	s2 =	stileid.u32  }
0x45: {  	s1 =	rddreg [dreg:$0x1];
	p0 =	sne.s32 s2, $0x0  }
0x46: {  	s3 =	rddreg [dreg:$0x2];
	[bflag:$0x3] =	sbarrier.arrive $0xFFFF;
	s2 =	simm.s32 @!p0 $0x1C01  }
0x47: {  	[timem:s3], [sflag:s2] =	dma.local @!p0 [hbm:s0], s1  }
0x48: {  	s0 =	simm.s32 @!p0 $0x1  }
0x49: {  	_ =	swait.ge @!p0 [sflag:s0], s1  }
0x4a: {  	s1 =	ssub.s32 @!p0 $0x0, s1;
	[sflag:s0] =	ssyncset.done @!p0 $0x0  }
0x4b: {  	[sflag:s0] =	ssyncadd.s32 @!p0 s1  }
0x4c: {  	[bflag:$0x3] =	sbarrier.arrive $0xFFFF  }
0x4d: {  	_ =	shalt  }

</sc_bundles>
